<compile_context>
chip_gen: v7x
topology: tpu7x:2x2x1
jax: 0.10.2.dev20260603
libtpu: 0.0.44.dev20260713+nightly
codegen_flags: <defaults>
</compile_context>

<pallas_src>
import functools

import jax
import jax.numpy as jnp
from jax import lax
from jax.experimental import pallas as pl
from jax.experimental.pallas import tpu as pltpu
from jax.experimental.pallas import tpu_sc as plsc

B = 16384
ED = 16
NU = 1000000
NC = 2
NS = 16
NW = NC * NS
BPW = B // NW
SLOT = 131072
CBR = 4096


def _tr_body(*refs):
    eye_ref, o_ref = refs[8], refs[9]
    x = jnp.concatenate([refs[s][...] for s in range(8)], axis=0)
    o_ref[...] = jax.lax.dot_general(
        x, eye_ref[...], (((0,), (0,)), ((), ())),
        preferred_element_type=jnp.float32)


def _detile(t):
    tt = t.T
    nsteps = SLOT // CBR
    last = (NU - 1) // CBR

    def spec(s):
        return pl.BlockSpec(
            (16, CBR),
            lambda r, s=s: (0, jnp.minimum(s * nsteps + r, last)))

    return pl.pallas_call(
        _tr_body,
        grid=(nsteps,),
        in_specs=[spec(s) for s in range(8)]
        + [pl.BlockSpec((128, 128), lambda r: (0, 0))],
        out_specs=pl.BlockSpec((CBR, 128), lambda r: (r, 0)),
        out_shape=jax.ShapeDtypeStruct((SLOT, 128), jnp.float32),
    )(*([tt] * 8 + [jnp.eye(128, dtype=jnp.float32)]))


def _sc_gather_u(uid, user_t, out_u, uidx_v, urow_v, s0):
    wid = lax.axis_index("s") * NC + lax.axis_index("c")
    base = wid * BPW
    pltpu.sync_copy(uid.at[pl.ds(base, BPW)], uidx_v)
    pltpu.async_copy(user_t.at[uidx_v], urow_v, s0).wait()
    pltpu.sync_copy(urow_v, out_u.at[pl.ds(base, BPW)])


def _sc_gather_small(age, gen, cat,
                     age_t, gen_t, cat_t,
                     out_a, out_g, out_c,
                     aidx_v, gidx_v, cidx_v,
                     arow_v, grow_v, crow_v,
                     s2, s3, s4):
    wid = lax.axis_index("s") * NC + lax.axis_index("c")
    base = wid * BPW

    pltpu.sync_copy(age.at[pl.ds(base, BPW)], aidx_v)
    pltpu.sync_copy(gen.at[pl.ds(base, BPW)], gidx_v)
    pltpu.sync_copy(cat.at[pl.ds(base, BPW)], cidx_v)

    ca = pltpu.async_copy(age_t.at[aidx_v], arow_v, s2)
    cg = pltpu.async_copy(gen_t.at[gidx_v], grow_v, s3)
    cc = pltpu.async_copy(cat_t.at[cidx_v], crow_v, s4)
    ca.wait()
    cg.wait()
    cc.wait()

    pltpu.sync_copy(arow_v, out_a.at[pl.ds(base, BPW)])
    pltpu.sync_copy(grow_v, out_g.at[pl.ds(base, BPW)])
    pltpu.sync_copy(crow_v, out_c.at[pl.ds(base, BPW)])


_SC_MESH = plsc.VectorSubcoreMesh(core_axis_name="c", subcore_axis_name="s",
                                  num_cores=NC, num_subcores=NS)

_gather_u_call = functools.partial(
    pl.kernel,
    out_type=jax.ShapeDtypeStruct((B, ED), jnp.float32),
    mesh=_SC_MESH,
    scratch_types=(
        [pltpu.VMEM((BPW,), jnp.int32),
         pltpu.VMEM((BPW, ED), jnp.float32),
         pltpu.SemaphoreType.DMA]
    ),
    compiler_params=pltpu.CompilerParams(use_tc_tiling_on_sc=False),
)(_sc_gather_u)

_gather_small_call = functools.partial(
    pl.kernel,
    out_type=[jax.ShapeDtypeStruct((B, ED), jnp.float32)] * 3,
    mesh=_SC_MESH,
    scratch_types=(
        [pltpu.VMEM((BPW,), jnp.int32)] * 3
        + [pltpu.VMEM((BPW, ED), jnp.float32)] * 3
        + [pltpu.SemaphoreType.DMA] * 3
    ),
    compiler_params=pltpu.CompilerParams(use_tc_tiling_on_sc=False),
)(_sc_gather_small)


def _mlp_body(u_ref, i_ref, a_ref, g_ref, c_ref, p_ref,
              w1_ref, b1_ref, w2_ref, b2_ref, w3_ref, b3_ref,
              o_ref):
    u, it = u_ref[...], i_ref[...]
    a, g, c = a_ref[...], g_ref[...], c_ref[...]
    p = p_ref[...]
    w1, b1 = w1_ref[...], b1_ref[...]
    w2, b2, w3, b3 = w2_ref[...], b2_ref[...], w3_ref[...], b3_ref[...]
    zpad = jnp.zeros((u.shape[0], ED - 1), jnp.float32)
    outs = []
    for k in range(8):
        s = slice(k * ED, (k + 1) * ED)
        pg = jnp.concatenate([p[:, k:k + 1] / 1000.0, zpad], axis=1)
        x = jnp.concatenate(
            [u[:, s], it[:, s], a[:, s], g[:, s], c[:, s], pg], axis=1)
        h = jnp.dot(x, w1, preferred_element_type=jnp.float32)
        h = jnp.maximum(h + b1, 0.0)
        h = jnp.dot(h, w2, preferred_element_type=jnp.float32)
        h = jnp.maximum(h + b2, 0.0)
        outs.append(jnp.dot(h, w3, preferred_element_type=jnp.float32) + b3)
    o_ref[...] = jnp.concatenate(outs, axis=1)


def _mlp(u, i, a, g, c, p, w1s, b1, w2, b2, w3, b3, bt8=512):
    grid = (B // 8 // bt8,)
    feat_spec = pl.BlockSpec((bt8, 128), lambda j: (j, 0))
    full = lambda shape: pl.BlockSpec(shape, lambda j: (0, 0))
    return pl.pallas_call(
        _mlp_body,
        grid=grid,
        in_specs=[feat_spec] * 5 + [
            pl.BlockSpec((bt8, 8), lambda j: (j, 0)),
            full((6 * ED, 64)), full((1, 64)),
            full((64, 32)), full((1, 32)),
            full((32, 1)), full((1, 1)),
        ],
        out_specs=pl.BlockSpec((bt8, 8), lambda j: (j, 0)),
        out_shape=jax.ShapeDtypeStruct((B // 8, 8), jnp.float32),
    )(u, i, a, g, c, p, w1s, b1, w2, b2, w3, b3)


def kernel(user_id, age, gender, item_id, category, price,
           user_table, item_table, age_table, gender_table, cat_table,
           W1, b1, W2, b2, W3, b3):
    uid = user_id.reshape(B).astype(jnp.int32)
    iid = item_id.reshape(B).astype(jnp.int32)
    uid = ((uid & (SLOT - 1)) << 3) | (uid >> 17)
    iid = ((iid & (SLOT - 1)) << 3) | (iid >> 17)
    aid = age.reshape(B).astype(jnp.int32)
    gid = gender.reshape(B).astype(jnp.int32)
    cid = category.reshape(B).astype(jnp.int32)

    rep = jnp.arange(B, dtype=jnp.int32)
    age_r = jnp.tile(jnp.pad(age_table, ((0, 0), (0, ED - 8))), (32, 1))
    gen_r = jnp.tile(jnp.pad(gender_table, ((0, 0), (0, ED - 4))), (512, 1))
    cat_r = jnp.tile(jnp.pad(cat_table, ((0, 0), (0, ED - 8))), (32, 1))
    aid = aid + (rep & 31) * 100
    gid = gid + (rep & 511) * 3
    cid = cid + (rep & 31) * 1000

    a, g, c = _gather_small_call(aid, gid, cid, age_r, gen_r, cat_r)
    ut_lin = _detile(user_table).reshape(SLOT * 8, ED)
    u = _gather_u_call(uid, ut_lin)
    it_lin = _detile(item_table).reshape(SLOT * 8, ED)
    i = _gather_u_call(iid, it_lin)

    z = jnp.zeros((1, 64), dtype=W1.dtype)
    w1s = jnp.concatenate([
        W1[0:32],
        W1[32:40], jnp.tile(z, (8, 1)),
        W1[40:44], jnp.tile(z, (12, 1)),
        W1[44:52], jnp.tile(z, (8, 1)),
        W1[52:53], jnp.tile(z, (15, 1)),
    ], axis=0)

    out = _mlp(u.reshape(B // 8, 128), i.reshape(B // 8, 128),
               a.reshape(B // 8, 128), g.reshape(B // 8, 128),
               c.reshape(B // 8, 128), price.reshape(B // 8, 8),
               w1s,
               b1.reshape(1, 64), W2, b2.reshape(1, 32),
               W3, b3.reshape(1, 1))
    return out.reshape(B)

# --- scband reference (transcript-rebuilt; emitter-appended) ---
"""Pipeline reference for scband-coarse-ranking-model-light-mlp-76570676953467 (READ-ONLY COPY).

The authoritative reference and input builder live on the scoring server;
editing this copy changes nothing except your own understanding.
"""

import jax, jax.numpy as jnp
import numpy as np

B = 16384
NUM_USERS = 1000000
NUM_ITEMS = 1000000
NUM_AGES = 100
NUM_GENDERS = 3
NUM_CATS = 1000
ED = 16
INPUT_DIM = ED * 2 + (ED // 2) * 2 + (ED // 4) + 1  # 53


def setup_inputs(seed: int = 0) -> dict:
    key = jax.random.key(seed)
    ks = jax.random.split(key, 16)
    inp = {}
    inp['user_id'] = jax.random.randint(ks[0], (B, 1), 0, NUM_USERS, dtype=jnp.int64 if jax.config.jax_enable_x64 else jnp.int32)
    inp['age'] = jax.random.randint(ks[1], (B, 1), 0, NUM_AGES)
    inp['gender'] = jax.random.randint(ks[2], (B, 1), 0, NUM_GENDERS)
    inp['item_id'] = jax.random.randint(ks[3], (B, 1), 0, NUM_ITEMS)
    inp['category'] = jax.random.randint(ks[4], (B, 1), 0, NUM_CATS)
    inp['price'] = jax.random.uniform(ks[5], (B, 1), dtype=jnp.float32) * 1000.0
    # learned parameters
    inp['user_table'] = jax.random.normal(ks[6], (NUM_USERS, ED), dtype=jnp.float32) * 0.02
    inp['item_table'] = jax.random.normal(ks[7], (NUM_ITEMS, ED), dtype=jnp.float32) * 0.02
    inp['age_table'] = jax.random.normal(ks[8], (NUM_AGES, ED // 2), dtype=jnp.float32) * 0.02
    inp['gender_table'] = jax.random.normal(ks[9], (NUM_GENDERS, ED // 4), dtype=jnp.float32) * 0.02
    inp['cat_table'] = jax.random.normal(ks[10], (NUM_CATS, ED // 2), dtype=jnp.float32) * 0.02
    inp['W1'] = jax.random.normal(ks[11], (INPUT_DIM, 64), dtype=jnp.float32) * (1.0 / np.sqrt(INPUT_DIM))
    inp['b1'] = jnp.zeros((64,), dtype=jnp.float32)
    inp['W2'] = jax.random.normal(ks[12], (64, 32), dtype=jnp.float32) * (1.0 / np.sqrt(64))
    inp['b2'] = jnp.zeros((32,), dtype=jnp.float32)
    inp['W3'] = jax.random.normal(ks[13], (32, 1), dtype=jnp.float32) * (1.0 / np.sqrt(32))
    inp['b3'] = jnp.zeros((1,), dtype=jnp.float32)
    return inp


def reference(user_id, age, gender, item_id, category, price,
              user_table, item_table, age_table, gender_table, cat_table,
              W1, b1, W2, b2, W3, b3):
    user_emb = jnp.squeeze(jnp.take(user_table, user_id, axis=0), axis=1)
    item_emb = jnp.squeeze(jnp.take(item_table, item_id, axis=0), axis=1)
    age_emb = jnp.squeeze(jnp.take(age_table, age, axis=0), axis=1)
    gender_emb = jnp.squeeze(jnp.take(gender_table, gender, axis=0), axis=1)
    cat_emb = jnp.squeeze(jnp.take(cat_table, category, axis=0), axis=1)
    features = jnp.concatenate([user_emb, item_emb, age_emb, gender_emb, cat_emb, price / 1000.0], axis=1)
    h = jax.nn.relu(features @ W1 + b1)
    h = jax.nn.relu(h @ W2 + b2)
    logit = jnp.squeeze(h @ W3 + b3, axis=1)
    return logit

if __name__ == "__main__":
    import jax
    _d = setup_inputs()
    print(jax.jit(kernel)(*tuple(_d.values())))

</pallas_src>

<mosaic_0001>
#map = affine_map<(d0, d1) -> (0)>
#map1 = affine_map<(d0, d1) -> (0, 0)>
module attributes {stable_mosaic.version = 14 : i64} {
  func.func @_sc_gather_small(%arg0: i32, %arg1: i32, %arg2: memref<16384xi32, #tpu.memory_space<hbm>>, %arg3: memref<16384xi32, #tpu.memory_space<hbm>>, %arg4: memref<16384xi32, #tpu.memory_space<hbm>>, %arg5: memref<3200x16xf32, #tpu.memory_space<hbm>>, %arg6: memref<1536x16xf32, #tpu.memory_space<hbm>>, %arg7: memref<32000x16xf32, #tpu.memory_space<hbm>>, %arg8: memref<16384x16xf32, #tpu.memory_space<hbm>>, %arg9: memref<16384x16xf32, #tpu.memory_space<hbm>>, %arg10: memref<16384x16xf32, #tpu.memory_space<hbm>>, %arg11: memref<512xi32, #tpu.memory_space<vmem>>, %arg12: memref<512xi32, #tpu.memory_space<vmem>>, %arg13: memref<512xi32, #tpu.memory_space<vmem>>, %arg14: memref<512x16xf32, #tpu.memory_space<vmem>>, %arg15: memref<512x16xf32, #tpu.memory_space<vmem>>, %arg16: memref<512x16xf32, #tpu.memory_space<vmem>>, %arg17: memref<!tpu.dma_semaphore, #tpu.memory_space<semaphore_mem>>, %arg18: memref<!tpu.dma_semaphore, #tpu.memory_space<semaphore_mem>>, %arg19: memref<!tpu.dma_semaphore, #tpu.memory_space<semaphore_mem>>) attributes {dimension_semantics = [#tpu.dimension_semantics<core_parallel>, #tpu.dimension_semantics<subcore_parallel>], iteration_bounds = array<i64: 2, 16>, scalar_prefetch = 0 : i64, scratch_operands = 9 : i64, tpu.core_type = #tpu.core_type<sc_vector_subcore>, window_params = [{transform_indices = #map}, {transform_indices = #map}, {transform_indices = #map}, {transform_indices = #map1}, {transform_indices = #map1}, {transform_indices = #map1}, {transform_indices = #map1}, {transform_indices = #map1}, {transform_indices = #map1}]} {
    %mul3A = arith.constant 2 : i32
    %mul3A_0 = arith.muli %arg1, %mul3A : i32
    %add3A = arith.addi %mul3A_0, %arg0 : i32
    %mul3A_1 = arith.constant 512 : i32
    %mul3A_2 = arith.muli %add3A, %mul3A_1 : i32
    "tpu.region"() ({
      %run_scoped3A = tpu.sem_alloc : memref<!tpu.dma_semaphore, #tpu.memory_space<semaphore_mem>>
      %dma_start3A_19 = tpu.memref_slice %arg2[%mul3A_2] : memref<16384xi32, #tpu.memory_space<hbm>> -> memref<512xi32, #tpu.memory_space<hbm>>
      %dma_start3A_20 = tpu.memref_slice %arg2[%mul3A_2] : memref<16384xi32, #tpu.memory_space<hbm>> -> memref<512xi32, #tpu.memory_space<hbm>>
      tpu.enqueue_dma source(%dma_start3A_20 : memref<512xi32, #tpu.memory_space<hbm>>) target(%arg11 : memref<512xi32, #tpu.memory_space<vmem>>) target_semaphore(%run_scoped3A : memref<!tpu.dma_semaphore, #tpu.memory_space<semaphore_mem>>)
      %dma_wait3A_21 = tpu.memref_slice %arg2[%mul3A_2] : memref<16384xi32, #tpu.memory_space<hbm>> -> memref<512xi32, #tpu.memory_space<hbm>>
      %dma_wait3A_22 = tpu.memref_slice %arg2[%mul3A_2] : memref<16384xi32, #tpu.memory_space<hbm>> -> memref<512xi32, #tpu.memory_space<hbm>>
      tpu.wait_dma2 semaphore(%run_scoped3A : memref<!tpu.dma_semaphore, #tpu.memory_space<semaphore_mem>>) src(%dma_wait3A_22 : memref<512xi32, #tpu.memory_space<hbm>>) dst(%arg11 : memref<512xi32, #tpu.memory_space<vmem>>)
      tpu.yield
    }) : () -> ()
    "tpu.region"() ({
      %run_scoped3A = tpu.sem_alloc : memref<!tpu.dma_semaphore, #tpu.memory_space<semaphore_mem>>
      %dma_start3A_19 = tpu.memref_slice %arg3[%mul3A_2] : memref<16384xi32, #tpu.memory_space<hbm>> -> memref<512xi32, #tpu.memory_space<hbm>>
      %dma_start3A_20 = tpu.memref_slice %arg3[%mul3A_2] : memref<16384xi32, #tpu.memory_space<hbm>> -> memref<512xi32, #tpu.memory_space<hbm>>
      tpu.enqueue_dma source(%dma_start3A_20 : memref<512xi32, #tpu.memory_space<hbm>>) target(%arg12 : memref<512xi32, #tpu.memory_space<vmem>>) target_semaphore(%run_scoped3A : memref<!tpu.dma_semaphore, #tpu.memory_space<semaphore_mem>>)
      %dma_wait3A_21 = tpu.memref_slice %arg3[%mul3A_2] : memref<16384xi32, #tpu.memory_space<hbm>> -> memref<512xi32, #tpu.memory_space<hbm>>
      %dma_wait3A_22 = tpu.memref_slice %arg3[%mul3A_2] : memref<16384xi32, #tpu.memory_space<hbm>> -> memref<512xi32, #tpu.memory_space<hbm>>
      tpu.wait_dma2 semaphore(%run_scoped3A : memref<!tpu.dma_semaphore, #tpu.memory_space<semaphore_mem>>) src(%dma_wait3A_22 : memref<512xi32, #tpu.memory_space<hbm>>) dst(%arg12 : memref<512xi32, #tpu.memory_space<vmem>>)
      tpu.yield
    }) : () -> ()
    "tpu.region"() ({
      %run_scoped3A = tpu.sem_alloc : memref<!tpu.dma_semaphore, #tpu.memory_space<semaphore_mem>>
      %dma_start3A_19 = tpu.memref_slice %arg4[%mul3A_2] : memref<16384xi32, #tpu.memory_space<hbm>> -> memref<512xi32, #tpu.memory_space<hbm>>
      %dma_start3A_20 = tpu.memref_slice %arg4[%mul3A_2] : memref<16384xi32, #tpu.memory_space<hbm>> -> memref<512xi32, #tpu.memory_space<hbm>>
      tpu.enqueue_dma source(%dma_start3A_20 : memref<512xi32, #tpu.memory_space<hbm>>) target(%arg13 : memref<512xi32, #tpu.memory_space<vmem>>) target_semaphore(%run_scoped3A : memref<!tpu.dma_semaphore, #tpu.memory_space<semaphore_mem>>)
      %dma_wait3A_21 = tpu.memref_slice %arg4[%mul3A_2] : memref<16384xi32, #tpu.memory_space<hbm>> -> memref<512xi32, #tpu.memory_space<hbm>>
      %dma_wait3A_22 = tpu.memref_slice %arg4[%mul3A_2] : memref<16384xi32, #tpu.memory_space<hbm>> -> memref<512xi32, #tpu.memory_space<hbm>>
      tpu.wait_dma2 semaphore(%run_scoped3A : memref<!tpu.dma_semaphore, #tpu.memory_space<semaphore_mem>>) src(%dma_wait3A_22 : memref<512xi32, #tpu.memory_space<hbm>>) dst(%arg13 : memref<512xi32, #tpu.memory_space<vmem>>)
      tpu.yield
    }) : () -> ()
    %dma_start3A = arith.constant 0 : i32
    %dma_start3A_3 = arith.constant 0 : i32
    %dma_start3A_4 = tpu.memref_slice %arg5[%dma_start3A, %dma_start3A_3] : memref<3200x16xf32, #tpu.memory_space<hbm>> -> memref<3200x16xf32, #tpu.memory_space<hbm>>
    tpu.enqueue_indirect_dma source(%dma_start3A_4 : memref<3200x16xf32, #tpu.memory_space<hbm>>) target(%arg14 : memref<512x16xf32, #tpu.memory_space<vmem>>) offsets(%arg11 : memref<512xi32, #tpu.memory_space<vmem>>) semaphore(%arg17 : memref<!tpu.dma_semaphore, #tpu.memory_space<semaphore_mem>>)
    %dma_start3A_5 = arith.constant 0 : i32
    %dma_start3A_6 = arith.constant 0 : i32
    %dma_start3A_7 = tpu.memref_slice %arg6[%dma_start3A_5, %dma_start3A_6] : memref<1536x16xf32, #tpu.memory_space<hbm>> -> memref<1536x16xf32, #tpu.memory_space<hbm>>
    tpu.enqueue_indirect_dma source(%dma_start3A_7 : memref<1536x16xf32, #tpu.memory_space<hbm>>) target(%arg15 : memref<512x16xf32, #tpu.memory_space<vmem>>) offsets(%arg12 : memref<512xi32, #tpu.memory_space<vmem>>) semaphore(%arg18 : memref<!tpu.dma_semaphore, #tpu.memory_space<semaphore_mem>>)
    %dma_start3A_8 = arith.constant 0 : i32
    %dma_start3A_9 = arith.constant 0 : i32
    %dma_start3A_10 = tpu.memref_slice %arg7[%dma_start3A_8, %dma_start3A_9] : memref<32000x16xf32, #tpu.memory_space<hbm>> -> memref<32000x16xf32, #tpu.memory_space<hbm>>
    tpu.enqueue_indirect_dma source(%dma_start3A_10 : memref<32000x16xf32, #tpu.memory_space<hbm>>) target(%arg16 : memref<512x16xf32, #tpu.memory_space<vmem>>) offsets(%arg13 : memref<512xi32, #tpu.memory_space<vmem>>) semaphore(%arg19 : memref<!tpu.dma_semaphore, #tpu.memory_space<semaphore_mem>>)
    %dma_wait3A = arith.constant 0 : i32
    %dma_wait3A_11 = arith.constant 0 : i32
    %dma_wait3A_12 = tpu.memref_slice %arg5[%dma_wait3A, %dma_wait3A_11] : memref<3200x16xf32, #tpu.memory_space<hbm>> -> memref<3200x16xf32, #tpu.memory_space<hbm>>
    tpu.wait_indirect_dma semaphore(%arg17 : memref<!tpu.dma_semaphore, #tpu.memory_space<semaphore_mem>>) src(%dma_wait3A_12 : memref<3200x16xf32, #tpu.memory_space<hbm>>) dst(%arg14 : memref<512x16xf32, #tpu.memory_space<vmem>>)
    %dma_wait3A_13 = arith.constant 0 : i32
    %dma_wait3A_14 = arith.constant 0 : i32
    %dma_wait3A_15 = tpu.memref_slice %arg6[%dma_wait3A_13, %dma_wait3A_14] : memref<1536x16xf32, #tpu.memory_space<hbm>> -> memref<1536x16xf32, #tpu.memory_space<hbm>>
    tpu.wait_indirect_dma semaphore(%arg18 : memref<!tpu.dma_semaphore, #tpu.memory_space<semaphore_mem>>) src(%dma_wait3A_15 : memref<1536x16xf32, #tpu.memory_space<hbm>>) dst(%arg15 : memref<512x16xf32, #tpu.memory_space<vmem>>)
    %dma_wait3A_16 = arith.constant 0 : i32
    %dma_wait3A_17 = arith.constant 0 : i32
    %dma_wait3A_18 = tpu.memref_slice %arg7[%dma_wait3A_16, %dma_wait3A_17] : memref<32000x16xf32, #tpu.memory_space<hbm>> -> memref<32000x16xf32, #tpu.memory_space<hbm>>
    tpu.wait_indirect_dma semaphore(%arg19 : memref<!tpu.dma_semaphore, #tpu.memory_space<semaphore_mem>>) src(%dma_wait3A_18 : memref<32000x16xf32, #tpu.memory_space<hbm>>) dst(%arg16 : memref<512x16xf32, #tpu.memory_space<vmem>>)
    "tpu.region"() ({
      %run_scoped3A = tpu.sem_alloc : memref<!tpu.dma_semaphore, #tpu.memory_space<semaphore_mem>>
      %dma_start3A_19 = arith.constant 0 : i32
      %dma_start3A_20 = tpu.memref_slice %arg8[%mul3A_2, %dma_start3A_19] : memref<16384x16xf32, #tpu.memory_space<hbm>> -> memref<512x16xf32, #tpu.memory_space<hbm>>
      %dma_start3A_21 = arith.constant 0 : i32
      %dma_start3A_22 = tpu.memref_slice %arg8[%mul3A_2, %dma_start3A_21] : memref<16384x16xf32, #tpu.memory_space<hbm>> -> memref<512x16xf32, #tpu.memory_space<hbm>>
      tpu.enqueue_dma source(%arg14 : memref<512x16xf32, #tpu.memory_space<vmem>>) target(%dma_start3A_22 : memref<512x16xf32, #tpu.memory_space<hbm>>) target_semaphore(%run_scoped3A : memref<!tpu.dma_semaphore, #tpu.memory_space<semaphore_mem>>)
      %dma_wait3A_23 = arith.constant 0 : i32
      %dma_wait3A_24 = tpu.memref_slice %arg8[%mul3A_2, %dma_wait3A_23] : memref<16384x16xf32, #tpu.memory_space<hbm>> -> memref<512x16xf32, #tpu.memory_space<hbm>>
      %dma_wait3A_25 = arith.constant 0 : i32
      %dma_wait3A_26 = tpu.memref_slice %arg8[%mul3A_2, %dma_wait3A_25] : memref<16384x16xf32, #tpu.memory_space<hbm>> -> memref<512x16xf32, #tpu.memory_space<hbm>>
      tpu.wait_dma2 semaphore(%run_scoped3A : memref<!tpu.dma_semaphore, #tpu.memory_space<semaphore_mem>>) src(%arg14 : memref<512x16xf32, #tpu.memory_space<vmem>>) dst(%dma_wait3A_26 : memref<512x16xf32, #tpu.memory_space<hbm>>)
      tpu.yield
    }) : () -> ()
    "tpu.region"() ({
      %run_scoped3A = tpu.sem_alloc : memref<!tpu.dma_semaphore, #tpu.memory_space<semaphore_mem>>
      %dma_start3A_19 = arith.constant 0 : i32
      %dma_start3A_20 = tpu.memref_slice %arg9[%mul3A_2, %dma_start3A_19] : memref<16384x16xf32, #tpu.memory_space<hbm>> -> memref<512x16xf32, #tpu.memory_space<hbm>>
      %dma_start3A_21 = arith.constant 0 : i32
      %dma_start3A_22 = tpu.memref_slice %arg9[%mul3A_2, %dma_start3A_21] : memref<16384x16xf32, #tpu.memory_space<hbm>> -> memref<512x16xf32, #tpu.memory_space<hbm>>
      tpu.enqueue_dma source(%arg15 : memref<512x16xf32, #tpu.memory_space<vmem>>) target(%dma_start3A_22 : memref<512x16xf32, #tpu.memory_space<hbm>>) target_semaphore(%run_scoped3A : memref<!tpu.dma_semaphore, #tpu.memory_space<semaphore_mem>>)
      %dma_wait3A_23 = arith.constant 0 : i32
      %dma_wait3A_24 = tpu.memref_slice %arg9[%mul3A_2, %dma_wait3A_23] : memref<16384x16xf32, #tpu.memory_space<hbm>> -> memref<512x16xf32, #tpu.memory_space<hbm>>
      %dma_wait3A_25 = arith.constant 0 : i32
      %dma_wait3A_26 = tpu.memref_slice %arg9[%mul3A_2, %dma_wait3A_25] : memref<16384x16xf32, #tpu.memory_space<hbm>> -> memref<512x16xf32, #tpu.memory_space<hbm>>
      tpu.wait_dma2 semaphore(%run_scoped3A : memref<!tpu.dma_semaphore, #tpu.memory_space<semaphore_mem>>) src(%arg15 : memref<512x16xf32, #tpu.memory_space<vmem>>) dst(%dma_wait3A_26 : memref<512x16xf32, #tpu.memory_space<hbm>>)
      tpu.yield
    }) : () -> ()
    "tpu.region"() ({
      %run_scoped3A = tpu.sem_alloc : memref<!tpu.dma_semaphore, #tpu.memory_space<semaphore_mem>>
      %dma_start3A_19 = arith.constant 0 : i32
      %dma_start3A_20 = tpu.memref_slice %arg10[%mul3A_2, %dma_start3A_19] : memref<16384x16xf32, #tpu.memory_space<hbm>> -> memref<512x16xf32, #tpu.memory_space<hbm>>
      %dma_start3A_21 = arith.constant 0 : i32
      %dma_start3A_22 = tpu.memref_slice %arg10[%mul3A_2, %dma_start3A_21] : memref<16384x16xf32, #tpu.memory_space<hbm>> -> memref<512x16xf32, #tpu.memory_space<hbm>>
      tpu.enqueue_dma source(%arg16 : memref<512x16xf32, #tpu.memory_space<vmem>>) target(%dma_start3A_22 : memref<512x16xf32, #tpu.memory_space<hbm>>) target_semaphore(%run_scoped3A : memref<!tpu.dma_semaphore, #tpu.memory_space<semaphore_mem>>)
      %dma_wait3A_23 = arith.constant 0 : i32
      %dma_wait3A_24 = tpu.memref_slice %arg10[%mul3A_2, %dma_wait3A_23] : memref<16384x16xf32, #tpu.memory_space<hbm>> -> memref<512x16xf32, #tpu.memory_space<hbm>>
      %dma_wait3A_25 = arith.constant 0 : i32
      %dma_wait3A_26 = tpu.memref_slice %arg10[%mul3A_2, %dma_wait3A_25] : memref<16384x16xf32, #tpu.memory_space<hbm>> -> memref<512x16xf32, #tpu.memory_space<hbm>>
      tpu.wait_dma2 semaphore(%run_scoped3A : memref<!tpu.dma_semaphore, #tpu.memory_space<semaphore_mem>>) src(%arg16 : memref<512x16xf32, #tpu.memory_space<vmem>>) dst(%dma_wait3A_26 : memref<512x16xf32, #tpu.memory_space<hbm>>)
      tpu.yield
    }) : () -> ()
    return
  }
}

#map = affine_map<(d0, d1) -> (0)>
#map1 = affine_map<(d0, d1) -> (0, 0)>
module attributes {stable_mosaic.version = 14 : i64} {
  func.func @_sc_gather_u(%arg0: i32, %arg1: i32, %arg2: memref<16384xi32, #tpu.memory_space<hbm>>, %arg3: memref<1048576x16xf32, #tpu.memory_space<hbm>>, %arg4: memref<16384x16xf32, #tpu.memory_space<hbm>>, %arg5: memref<512xi32, #tpu.memory_space<vmem>>, %arg6: memref<512x16xf32, #tpu.memory_space<vmem>>, %arg7: memref<!tpu.dma_semaphore, #tpu.memory_space<semaphore_mem>>) attributes {dimension_semantics = [#tpu.dimension_semantics<core_parallel>, #tpu.dimension_semantics<subcore_parallel>], iteration_bounds = array<i64: 2, 16>, scalar_prefetch = 0 : i64, scratch_operands = 3 : i64, tpu.core_type = #tpu.core_type<sc_vector_subcore>, window_params = [{transform_indices = #map}, {transform_indices = #map1}, {transform_indices = #map1}]} {
    %mul3A = arith.constant 2 : i32
    %mul3A_0 = arith.muli %arg1, %mul3A : i32
    %add3A = arith.addi %mul3A_0, %arg0 : i32
    %mul3A_1 = arith.constant 512 : i32
    %mul3A_2 = arith.muli %add3A, %mul3A_1 : i32
    "tpu.region"() ({
      %run_scoped3A = tpu.sem_alloc : memref<!tpu.dma_semaphore, #tpu.memory_space<semaphore_mem>>
      %dma_start3A_7 = tpu.memref_slice %arg2[%mul3A_2] : memref<16384xi32, #tpu.memory_space<hbm>> -> memref<512xi32, #tpu.memory_space<hbm>>
      %dma_start3A_8 = tpu.memref_slice %arg2[%mul3A_2] : memref<16384xi32, #tpu.memory_space<hbm>> -> memref<512xi32, #tpu.memory_space<hbm>>
      tpu.enqueue_dma source(%dma_start3A_8 : memref<512xi32, #tpu.memory_space<hbm>>) target(%arg5 : memref<512xi32, #tpu.memory_space<vmem>>) target_semaphore(%run_scoped3A : memref<!tpu.dma_semaphore, #tpu.memory_space<semaphore_mem>>)
      %dma_wait3A_9 = tpu.memref_slice %arg2[%mul3A_2] : memref<16384xi32, #tpu.memory_space<hbm>> -> memref<512xi32, #tpu.memory_space<hbm>>
      %dma_wait3A_10 = tpu.memref_slice %arg2[%mul3A_2] : memref<16384xi32, #tpu.memory_space<hbm>> -> memref<512xi32, #tpu.memory_space<hbm>>
      tpu.wait_dma2 semaphore(%run_scoped3A : memref<!tpu.dma_semaphore, #tpu.memory_space<semaphore_mem>>) src(%dma_wait3A_10 : memref<512xi32, #tpu.memory_space<hbm>>) dst(%arg5 : memref<512xi32, #tpu.memory_space<vmem>>)
      tpu.yield
    }) : () -> ()
    %dma_start3A = arith.constant 0 : i32
    %dma_start3A_3 = arith.constant 0 : i32
    %dma_start3A_4 = tpu.memref_slice %arg3[%dma_start3A, %dma_start3A_3] : memref<1048576x16xf32, #tpu.memory_space<hbm>> -> memref<1048576x16xf32, #tpu.memory_space<hbm>>
    tpu.enqueue_indirect_dma source(%dma_start3A_4 : memref<1048576x16xf32, #tpu.memory_space<hbm>>) target(%arg6 : memref<512x16xf32, #tpu.memory_space<vmem>>) offsets(%arg5 : memref<512xi32, #tpu.memory_space<vmem>>) semaphore(%arg7 : memref<!tpu.dma_semaphore, #tpu.memory_space<semaphore_mem>>)
    %dma_wait3A = arith.constant 0 : i32
    %dma_wait3A_5 = arith.constant 0 : i32
    %dma_wait3A_6 = tpu.memref_slice %arg3[%dma_wait3A, %dma_wait3A_5] : memref<1048576x16xf32, #tpu.memory_space<hbm>> -> memref<1048576x16xf32, #tpu.memory_space<hbm>>
    tpu.wait_indirect_dma semaphore(%arg7 : memref<!tpu.dma_semaphore, #tpu.memory_space<semaphore_mem>>) src(%dma_wait3A_6 : memref<1048576x16xf32, #tpu.memory_space<hbm>>) dst(%arg6 : memref<512x16xf32, #tpu.memory_space<vmem>>)
    "tpu.region"() ({
      %run_scoped3A = tpu.sem_alloc : memref<!tpu.dma_semaphore, #tpu.memory_space<semaphore_mem>>
      %dma_start3A_7 = arith.constant 0 : i32
      %dma_start3A_8 = tpu.memref_slice %arg4[%mul3A_2, %dma_start3A_7] : memref<16384x16xf32, #tpu.memory_space<hbm>> -> memref<512x16xf32, #tpu.memory_space<hbm>>
      %dma_start3A_9 = arith.constant 0 : i32
      %dma_start3A_10 = tpu.memref_slice %arg4[%mul3A_2, %dma_start3A_9] : memref<16384x16xf32, #tpu.memory_space<hbm>> -> memref<512x16xf32, #tpu.memory_space<hbm>>
      tpu.enqueue_dma source(%arg6 : memref<512x16xf32, #tpu.memory_space<vmem>>) target(%dma_start3A_10 : memref<512x16xf32, #tpu.memory_space<hbm>>) target_semaphore(%run_scoped3A : memref<!tpu.dma_semaphore, #tpu.memory_space<semaphore_mem>>)
      %dma_wait3A_11 = arith.constant 0 : i32
      %dma_wait3A_12 = tpu.memref_slice %arg4[%mul3A_2, %dma_wait3A_11] : memref<16384x16xf32, #tpu.memory_space<hbm>> -> memref<512x16xf32, #tpu.memory_space<hbm>>
      %dma_wait3A_13 = arith.constant 0 : i32
      %dma_wait3A_14 = tpu.memref_slice %arg4[%mul3A_2, %dma_wait3A_13] : memref<16384x16xf32, #tpu.memory_space<hbm>> -> memref<512x16xf32, #tpu.memory_space<hbm>>
      tpu.wait_dma2 semaphore(%run_scoped3A : memref<!tpu.dma_semaphore, #tpu.memory_space<semaphore_mem>>) src(%arg6 : memref<512x16xf32, #tpu.memory_space<vmem>>) dst(%dma_wait3A_14 : memref<512x16xf32, #tpu.memory_space<hbm>>)
      tpu.yield
    }) : () -> ()
    return
  }
}

#map = affine_map<(d0, d1) -> (0)>
#map1 = affine_map<(d0, d1) -> (0, 0)>
module attributes {stable_mosaic.version = 14 : i64} {
  func.func @_sc_gather_u(%arg0: i32, %arg1: i32, %arg2: memref<16384xi32, #tpu.memory_space<hbm>>, %arg3: memref<1048576x16xf32, #tpu.memory_space<hbm>>, %arg4: memref<16384x16xf32, #tpu.memory_space<hbm>>, %arg5: memref<512xi32, #tpu.memory_space<vmem>>, %arg6: memref<512x16xf32, #tpu.memory_space<vmem>>, %arg7: memref<!tpu.dma_semaphore, #tpu.memory_space<semaphore_mem>>) attributes {dimension_semantics = [#tpu.dimension_semantics<core_parallel>, #tpu.dimension_semantics<subcore_parallel>], iteration_bounds = array<i64: 2, 16>, scalar_prefetch = 0 : i64, scratch_operands = 3 : i64, tpu.core_type = #tpu.core_type<sc_vector_subcore>, window_params = [{transform_indices = #map}, {transform_indices = #map1}, {transform_indices = #map1}]} {
    %mul3A = arith.constant 2 : i32
    %mul3A_0 = arith.muli %arg1, %mul3A : i32
    %add3A = arith.addi %mul3A_0, %arg0 : i32
    %mul3A_1 = arith.constant 512 : i32
    %mul3A_2 = arith.muli %add3A, %mul3A_1 : i32
    "tpu.region"() ({
      %run_scoped3A = tpu.sem_alloc : memref<!tpu.dma_semaphore, #tpu.memory_space<semaphore_mem>>
      %dma_start3A_7 = tpu.memref_slice %arg2[%mul3A_2] : memref<16384xi32, #tpu.memory_space<hbm>> -> memref<512xi32, #tpu.memory_space<hbm>>
      %dma_start3A_8 = tpu.memref_slice %arg2[%mul3A_2] : memref<16384xi32, #tpu.memory_space<hbm>> -> memref<512xi32, #tpu.memory_space<hbm>>
      tpu.enqueue_dma source(%dma_start3A_8 : memref<512xi32, #tpu.memory_space<hbm>>) target(%arg5 : memref<512xi32, #tpu.memory_space<vmem>>) target_semaphore(%run_scoped3A : memref<!tpu.dma_semaphore, #tpu.memory_space<semaphore_mem>>)
      %dma_wait3A_9 = tpu.memref_slice %arg2[%mul3A_2] : memref<16384xi32, #tpu.memory_space<hbm>> -> memref<512xi32, #tpu.memory_space<hbm>>
      %dma_wait3A_10 = tpu.memref_slice %arg2[%mul3A_2] : memref<16384xi32, #tpu.memory_space<hbm>> -> memref<512xi32, #tpu.memory_space<hbm>>
      tpu.wait_dma2 semaphore(%run_scoped3A : memref<!tpu.dma_semaphore, #tpu.memory_space<semaphore_mem>>) src(%dma_wait3A_10 : memref<512xi32, #tpu.memory_space<hbm>>) dst(%arg5 : memref<512xi32, #tpu.memory_space<vmem>>)
      tpu.yield
    }) : () -> ()
    %dma_start3A = arith.constant 0 : i32
    %dma_start3A_3 = arith.constant 0 : i32
    %dma_start3A_4 = tpu.memref_slice %arg3[%dma_start3A, %dma_start3A_3] : memref<1048576x16xf32, #tpu.memory_space<hbm>> -> memref<1048576x16xf32, #tpu.memory_space<hbm>>
    tpu.enqueue_indirect_dma source(%dma_start3A_4 : memref<1048576x16xf32, #tpu.memory_space<hbm>>) target(%arg6 : memref<512x16xf32, #tpu.memory_space<vmem>>) offsets(%arg5 : memref<512xi32, #tpu.memory_space<vmem>>) semaphore(%arg7 : memref<!tpu.dma_semaphore, #tpu.memory_space<semaphore_mem>>)
    %dma_wait3A = arith.constant 0 : i32
    %dma_wait3A_5 = arith.constant 0 : i32
    %dma_wait3A_6 = tpu.memref_slice %arg3[%dma_wait3A, %dma_wait3A_5] : memref<1048576x16xf32, #tpu.memory_space<hbm>> -> memref<1048576x16xf32, #tpu.memory_space<hbm>>
    tpu.wait_indirect_dma semaphore(%arg7 : memref<!tpu.dma_semaphore, #tpu.memory_space<semaphore_mem>>) src(%dma_wait3A_6 : memref<1048576x16xf32, #tpu.memory_space<hbm>>) dst(%arg6 : memref<512x16xf32, #tpu.memory_space<vmem>>)
    "tpu.region"() ({
      %run_scoped3A = tpu.sem_alloc : memref<!tpu.dma_semaphore, #tpu.memory_space<semaphore_mem>>
      %dma_start3A_7 = arith.constant 0 : i32
      %dma_start3A_8 = tpu.memref_slice %arg4[%mul3A_2, %dma_start3A_7] : memref<16384x16xf32, #tpu.memory_space<hbm>> -> memref<512x16xf32, #tpu.memory_space<hbm>>
      %dma_start3A_9 = arith.constant 0 : i32
      %dma_start3A_10 = tpu.memref_slice %arg4[%mul3A_2, %dma_start3A_9] : memref<16384x16xf32, #tpu.memory_space<hbm>> -> memref<512x16xf32, #tpu.memory_space<hbm>>
      tpu.enqueue_dma source(%arg6 : memref<512x16xf32, #tpu.memory_space<vmem>>) target(%dma_start3A_10 : memref<512x16xf32, #tpu.memory_space<hbm>>) target_semaphore(%run_scoped3A : memref<!tpu.dma_semaphore, #tpu.memory_space<semaphore_mem>>)
      %dma_wait3A_11 = arith.constant 0 : i32
      %dma_wait3A_12 = tpu.memref_slice %arg4[%mul3A_2, %dma_wait3A_11] : memref<16384x16xf32, #tpu.memory_space<hbm>> -> memref<512x16xf32, #tpu.memory_space<hbm>>
      %dma_wait3A_13 = arith.constant 0 : i32
      %dma_wait3A_14 = tpu.memref_slice %arg4[%mul3A_2, %dma_wait3A_13] : memref<16384x16xf32, #tpu.memory_space<hbm>> -> memref<512x16xf32, #tpu.memory_space<hbm>>
      tpu.wait_dma2 semaphore(%run_scoped3A : memref<!tpu.dma_semaphore, #tpu.memory_space<semaphore_mem>>) src(%arg6 : memref<512x16xf32, #tpu.memory_space<vmem>>) dst(%dma_wait3A_14 : memref<512x16xf32, #tpu.memory_space<hbm>>)
      tpu.yield
    }) : () -> ()
    return
  }
}

module attributes {stable_mosaic.version = 14 : i64} {
  func.func @_tr_body(%arg0: i32, %arg1: memref<16x4096xf32, #tpu.memory_space<vmem>>, %arg2: memref<16x4096xf32, #tpu.memory_space<vmem>>, %arg3: memref<16x4096xf32, #tpu.memory_space<vmem>>, %arg4: memref<16x4096xf32, #tpu.memory_space<vmem>>, %arg5: memref<16x4096xf32, #tpu.memory_space<vmem>>, %arg6: memref<16x4096xf32, #tpu.memory_space<vmem>>, %arg7: memref<16x4096xf32, #tpu.memory_space<vmem>>, %arg8: memref<16x4096xf32, #tpu.memory_space<vmem>>, %arg9: memref<128x128xf32, #tpu.memory_space<vmem>>, %arg10: memref<4096x128xf32, #tpu.memory_space<vmem>>) attributes {dimension_semantics = [#tpu.dimension_semantics<arbitrary>], iteration_bounds = array<i64: 32>, scalar_prefetch = 0 : i64, scratch_operands = 0 : i64, tpu.core_type = #tpu.core_type<tc>, window_params = [{transform_indices = @transform_0, window_bounds = array<i64: 16, 4096>}, {transform_indices = @transform_1, window_bounds = array<i64: 16, 4096>}, {transform_indices = @transform_2, window_bounds = array<i64: 16, 4096>}, {transform_indices = @transform_3, window_bounds = array<i64: 16, 4096>}, {transform_indices = @transform_4, window_bounds = array<i64: 16, 4096>}, {transform_indices = @transform_5, window_bounds = array<i64: 16, 4096>}, {transform_indices = @transform_6, window_bounds = array<i64: 16, 4096>}, {transform_indices = @transform_7, window_bounds = array<i64: 16, 4096>}, {pipeline_mode = #tpu.pipeline_mode<synchronous>, transform_indices = @transform_8, window_bounds = array<i64: 128, 128>}, {transform_indices = @transform_9, window_bounds = array<i64: 4096, 128>}]} {
    %get3A = arith.constant 0 : index
    %get3A_0 = arith.constant 0 : index
    %get3A_1 = vector.load %arg1[%get3A, %get3A_0] : memref<16x4096xf32, #tpu.memory_space<vmem>>, vector<16x4096xf32>
    %get3A_2 = arith.constant 0 : index
    %get3A_3 = arith.constant 0 : index
    %get3A_4 = vector.load %arg2[%get3A_2, %get3A_3] : memref<16x4096xf32, #tpu.memory_space<vmem>>, vector<16x4096xf32>
    %get3A_5 = arith.constant 0 : index
    %get3A_6 = arith.constant 0 : index
    %get3A_7 = vector.load %arg3[%get3A_5, %get3A_6] : memref<16x4096xf32, #tpu.memory_space<vmem>>, vector<16x4096xf32>
    %get3A_8 = arith.constant 0 : index
    %get3A_9 = arith.constant 0 : index
    %get3A_10 = vector.load %arg4[%get3A_8, %get3A_9] : memref<16x4096xf32, #tpu.memory_space<vmem>>, vector<16x4096xf32>
    %get3A_11 = arith.constant 0 : index
    %get3A_12 = arith.constant 0 : index
    %get3A_13 = vector.load %arg5[%get3A_11, %get3A_12] : memref<16x4096xf32, #tpu.memory_space<vmem>>, vector<16x4096xf32>
    %get3A_14 = arith.constant 0 : index
    %get3A_15 = arith.constant 0 : index
    %get3A_16 = vector.load %arg6[%get3A_14, %get3A_15] : memref<16x4096xf32, #tpu.memory_space<vmem>>, vector<16x4096xf32>
    %get3A_17 = arith.constant 0 : index
    %get3A_18 = arith.constant 0 : index
    %get3A_19 = vector.load %arg7[%get3A_17, %get3A_18] : memref<16x4096xf32, #tpu.memory_space<vmem>>, vector<16x4096xf32>
    %get3A_20 = arith.constant 0 : index
    %get3A_21 = arith.constant 0 : index
    %get3A_22 = vector.load %arg8[%get3A_20, %get3A_21] : memref<16x4096xf32, #tpu.memory_space<vmem>>, vector<16x4096xf32>
    %concatenate3A = tpu.concatenate %get3A_1, %get3A_4, %get3A_7, %get3A_10, %get3A_13, %get3A_16, %get3A_19, %get3A_22 in 0 : vector<16x4096xf32>, vector<16x4096xf32>, vector<16x4096xf32>, vector<16x4096xf32>, vector<16x4096xf32>, vector<16x4096xf32>, vector<16x4096xf32>, vector<16x4096xf32> -> vector<128x4096xf32>
    %get3A_23 = arith.constant 0 : index
    %get3A_24 = arith.constant 0 : index
    %get3A_25 = vector.load %arg9[%get3A_23, %get3A_24] : memref<128x128xf32, #tpu.memory_space<vmem>>, vector<128x128xf32>
    %dot_general3A = arith.constant dense<0.000000e+00> : vector<4096x128xf32>
    %dot_general3A_26 = tpu.matmul %concatenate3A, %get3A_25, %dot_general3A {dimension_numbers = #tpu.dot_dimension_numbers<[0], [0], [1], [1], [0, 1, 1, 1], [], []>, transpose_lhs_hint = false} : vector<128x4096xf32>, vector<128x128xf32>, vector<4096x128xf32> -> vector<4096x128xf32>
    %swap3A = arith.constant 0 : index
    %swap3A_27 = arith.constant 0 : index
    %swap3A_28 = vector.load %arg10[%swap3A, %swap3A_27] : memref<4096x128xf32, #tpu.memory_space<vmem>>, vector<4096x128xf32>
    tpu.vector_store %arg10[%swap3A, %swap3A_27], %dot_general3A_26 {strides = array<i32>} : memref<4096x128xf32, #tpu.memory_space<vmem>>, vector<4096x128xf32>,
    return
  }
  func.func @transform_0(%arg0: i32) -> (i32, i32) {
    %add3A = arith.constant 0 : i32
    %add3A_0 = arith.addi %add3A, %arg0 : i32
    %min3A = arith.constant 244 : i32
    %min3A_1 = arith.minsi %add3A_0, %min3A : i32
    %c0_i32 = arith.constant 0 : i32
    %c0_i32_2 = arith.constant 0 : i32
    return %c0_i32, %min3A_1 : i32, i32
  }
  func.func @transform_1(%arg0: i32) -> (i32, i32) {
    %add3A = arith.constant 32 : i32
    %add3A_0 = arith.addi %add3A, %arg0 : i32
    %min3A = arith.constant 244 : i32
    %min3A_1 = arith.minsi %add3A_0, %min3A : i32
    %c0_i32 = arith.constant 0 : i32
    %c0_i32_2 = arith.constant 0 : i32
    return %c0_i32, %min3A_1 : i32, i32
  }
  func.func @transform_2(%arg0: i32) -> (i32, i32) {
    %add3A = arith.constant 64 : i32
    %add3A_0 = arith.addi %add3A, %arg0 : i32
    %min3A = arith.constant 244 : i32
    %min3A_1 = arith.minsi %add3A_0, %min3A : i32
    %c0_i32 = arith.constant 0 : i32
    %c0_i32_2 = arith.constant 0 : i32
    return %c0_i32, %min3A_1 : i32, i32
  }
  func.func @transform_3(%arg0: i32) -> (i32, i32) {
    %add3A = arith.constant 96 : i32
    %add3A_0 = arith.addi %add3A, %arg0 : i32
    %min3A = arith.constant 244 : i32
    %min3A_1 = arith.minsi %add3A_0, %min3A : i32
    %c0_i32 = arith.constant 0 : i32
    %c0_i32_2 = arith.constant 0 : i32
    return %c0_i32, %min3A_1 : i32, i32
  }
  func.func @transform_4(%arg0: i32) -> (i32, i32) {
    %add3A = arith.constant 128 : i32
    %add3A_0 = arith.addi %add3A, %arg0 : i32
    %min3A = arith.constant 244 : i32
    %min3A_1 = arith.minsi %add3A_0, %min3A : i32
    %c0_i32 = arith.constant 0 : i32
    %c0_i32_2 = arith.constant 0 : i32
    return %c0_i32, %min3A_1 : i32, i32
  }
  func.func @transform_5(%arg0: i32) -> (i32, i32) {
    %add3A = arith.constant 160 : i32
    %add3A_0 = arith.addi %add3A, %arg0 : i32
    %min3A = arith.constant 244 : i32
    %min3A_1 = arith.minsi %add3A_0, %min3A : i32
    %c0_i32 = arith.constant 0 : i32
    %c0_i32_2 = arith.constant 0 : i32
    return %c0_i32, %min3A_1 : i32, i32
  }
  func.func @transform_6(%arg0: i32) -> (i32, i32) {
    %add3A = arith.constant 192 : i32
    %add3A_0 = arith.addi %add3A, %arg0 : i32
    %min3A = arith.constant 244 : i32
    %min3A_1 = arith.minsi %add3A_0, %min3A : i32
    %c0_i32 = arith.constant 0 : i32
    %c0_i32_2 = arith.constant 0 : i32
    return %c0_i32, %min3A_1 : i32, i32
  }
  func.func @transform_7(%arg0: i32) -> (i32, i32) {
    %add3A = arith.constant 224 : i32
    %add3A_0 = arith.addi %add3A, %arg0 : i32
    %min3A = arith.constant 244 : i32
    %min3A_1 = arith.minsi %add3A_0, %min3A : i32
    %c0_i32 = arith.constant 0 : i32
    %c0_i32_2 = arith.constant 0 : i32
    return %c0_i32, %min3A_1 : i32, i32
  }
  func.func @transform_8(%arg0: i32) -> (i32, i32) {
    %c0_i32 = arith.constant 0 : i32
    %c0_i32_0 = arith.constant 0 : i32
    %c0_i32_1 = arith.constant 0 : i32
    return %c0_i32, %c0_i32_0 : i32, i32
  }
  func.func @transform_9(%arg0: i32) -> (i32, i32) {
    %c0_i32 = arith.constant 0 : i32
    %c0_i32_0 = arith.constant 0 : i32
    return %arg0, %c0_i32 : i32, i32
  }
}

module attributes {stable_mosaic.version = 14 : i64} {
  func.func @_mlp_body(%arg0: i32, %arg1: memref<512x128xf32, #tpu.memory_space<vmem>>, %arg2: memref<512x128xf32, #tpu.memory_space<vmem>>, %arg3: memref<512x128xf32, #tpu.memory_space<vmem>>, %arg4: memref<512x128xf32, #tpu.memory_space<vmem>>, %arg5: memref<512x128xf32, #tpu.memory_space<vmem>>, %arg6: memref<512x8xf32, #tpu.memory_space<vmem>>, %arg7: memref<96x64xf32, #tpu.memory_space<vmem>>, %arg8: memref<1x64xf32, #tpu.memory_space<vmem>>, %arg9: memref<64x32xf32, #tpu.memory_space<vmem>>, %arg10: memref<1x32xf32, #tpu.memory_space<vmem>>, %arg11: memref<32x1xf32, #tpu.memory_space<vmem>>, %arg12: memref<1x1xf32, #tpu.memory_space<vmem>>, %arg13: memref<512x8xf32, #tpu.memory_space<vmem>>) attributes {dimension_semantics = [#tpu.dimension_semantics<arbitrary>], iteration_bounds = array<i64: 4>, scalar_prefetch = 0 : i64, scratch_operands = 0 : i64, tpu.core_type = #tpu.core_type<tc>, window_params = [{transform_indices = @transform_0, window_bounds = array<i64: 512, 128>}, {transform_indices = @transform_1, window_bounds = array<i64: 512, 128>}, {transform_indices = @transform_2, window_bounds = array<i64: 512, 128>}, {transform_indices = @transform_3, window_bounds = array<i64: 512, 128>}, {transform_indices = @transform_4, window_bounds = array<i64: 512, 128>}, {transform_indices = @transform_5, window_bounds = array<i64: 512, 8>}, {pipeline_mode = #tpu.pipeline_mode<synchronous>, transform_indices = @transform_6, window_bounds = array<i64: 96, 64>}, {pipeline_mode = #tpu.pipeline_mode<synchronous>, transform_indices = @transform_7, window_bounds = array<i64: 1, 64>}, {pipeline_mode = #tpu.pipeline_mode<synchronous>, transform_indices = @transform_8, window_bounds = array<i64: 64, 32>}, {pipeline_mode = #tpu.pipeline_mode<synchronous>, transform_indices = @transform_9, window_bounds = array<i64: 1, 32>}, {pipeline_mode = #tpu.pipeline_mode<synchronous>, transform_indices = @transform_10, window_bounds = array<i64: 32, 1>}, {pipeline_mode = #tpu.pipeline_mode<synchronous>, transform_indices = @transform_11, window_bounds = array<i64: 1, 1>}, {transform_indices = @transform_12, window_bounds = array<i64: 512, 8>}]} {
    %get3A = arith.constant 0 : index
    %get3A_0 = arith.constant 0 : index
    %get3A_1 = vector.load %arg1[%get3A, %get3A_0] : memref<512x128xf32, #tpu.memory_space<vmem>>, vector<512x128xf32>
    %get3A_2 = arith.constant 0 : index
    %get3A_3 = arith.constant 0 : index
    %get3A_4 = vector.load %arg2[%get3A_2, %get3A_3] : memref<512x128xf32, #tpu.memory_space<vmem>>, vector<512x128xf32>
    %get3A_5 = arith.constant 0 : index
    %get3A_6 = arith.constant 0 : index
    %get3A_7 = vector.load %arg3[%get3A_5, %get3A_6] : memref<512x128xf32, #tpu.memory_space<vmem>>, vector<512x128xf32>
    %get3A_8 = arith.constant 0 : index
    %get3A_9 = arith.constant 0 : index
    %get3A_10 = vector.load %arg4[%get3A_8, %get3A_9] : memref<512x128xf32, #tpu.memory_space<vmem>>, vector<512x128xf32>
    %get3A_11 = arith.constant 0 : index
    %get3A_12 = arith.constant 0 : index
    %get3A_13 = vector.load %arg5[%get3A_11, %get3A_12] : memref<512x128xf32, #tpu.memory_space<vmem>>, vector<512x128xf32>
    %get3A_14 = arith.constant 0 : index
    %get3A_15 = arith.constant 0 : index
    %get3A_16 = vector.load %arg6[%get3A_14, %get3A_15] : memref<512x8xf32, #tpu.memory_space<vmem>>, vector<512x8xf32>
    %get3A_17 = arith.constant 0 : index
    %get3A_18 = arith.constant 0 : index
    %get3A_19 = vector.load %arg7[%get3A_17, %get3A_18] : memref<96x64xf32, #tpu.memory_space<vmem>>, vector<96x64xf32>
    %get3A_20 = arith.constant 0 : index
    %get3A_21 = arith.constant 0 : index
    %get3A_22 = vector.load %arg8[%get3A_20, %get3A_21] : memref<1x64xf32, #tpu.memory_space<vmem>>, vector<1x64xf32>
    %get3A_23 = arith.constant 0 : index
    %get3A_24 = arith.constant 0 : index
    %get3A_25 = vector.load %arg9[%get3A_23, %get3A_24] : memref<64x32xf32, #tpu.memory_space<vmem>>, vector<64x32xf32>
    %get3A_26 = arith.constant 0 : index
    %get3A_27 = arith.constant 0 : index
    %get3A_28 = vector.load %arg10[%get3A_26, %get3A_27] : memref<1x32xf32, #tpu.memory_space<vmem>>, vector<1x32xf32>
    %get3A_29 = arith.constant 0 : index
    %get3A_30 = arith.constant 0 : index
    %get3A_31 = vector.load %arg11[%get3A_29, %get3A_30] : memref<32x1xf32, #tpu.memory_space<vmem>>, vector<32x1xf32>
    %get3A_32 = arith.constant 0 : index
    %get3A_33 = arith.constant 0 : index
    %get3A_34 = vector.load %arg12[%get3A_32, %get3A_33] : memref<1x1xf32, #tpu.memory_space<vmem>>, vector<1x1xf32>
    %broadcast_in_dim3A = arith.constant 0.000000e+00 : f32
    %broadcast_in_dim3A_35 = vector.broadcast %broadcast_in_dim3A : f32 to vector<512x15xf32>
    %slice3A = vector.extract_strided_slice %get3A_16 {offsets = [0, 0], sizes = [512, 1], strides = [1, 1]} : vector<512x8xf32> to vector<512x1xf32>
    %div3A = arith.constant 1.000000e+03 : f32
    %div3A_36 = vector.broadcast %div3A : f32 to vector<512x1xf32>
    %div3A_37 = arith.divf %slice3A, %div3A_36 : vector<512x1xf32>
    %concatenate3A = tpu.concatenate %div3A_37, %broadcast_in_dim3A_35 in 1 : vector<512x1xf32>, vector<512x15xf32> -> vector<512x16xf32>
    %slice3A_38 = vector.extract_strided_slice %get3A_1 {offsets = [0, 0], sizes = [512, 16], strides = [1, 1]} : vector<512x128xf32> to vector<512x16xf32>
    %slice3A_39 = vector.extract_strided_slice %get3A_4 {offsets = [0, 0], sizes = [512, 16], strides = [1, 1]} : vector<512x128xf32> to vector<512x16xf32>
    %slice3A_40 = vector.extract_strided_slice %get3A_7 {offsets = [0, 0], sizes = [512, 16], strides = [1, 1]} : vector<512x128xf32> to vector<512x16xf32>
    %slice3A_41 = vector.extract_strided_slice %get3A_10 {offsets = [0, 0], sizes = [512, 16], strides = [1, 1]} : vector<512x128xf32> to vector<512x16xf32>
    %slice3A_42 = vector.extract_strided_slice %get3A_13 {offsets = [0, 0], sizes = [512, 16], strides = [1, 1]} : vector<512x128xf32> to vector<512x16xf32>
    %concatenate3A_43 = tpu.concatenate %slice3A_38, %slice3A_39, %slice3A_40, %slice3A_41, %slice3A_42, %concatenate3A in 1 : vector<512x16xf32>, vector<512x16xf32>, vector<512x16xf32>, vector<512x16xf32>, vector<512x16xf32>, vector<512x16xf32> -> vector<512x96xf32>
    %dot_general3A = arith.constant dense<0.000000e+00> : vector<512x64xf32>
    %dot_general3A_44 = tpu.matmul %concatenate3A_43, %get3A_19, %dot_general3A {dimension_numbers = #tpu.dot_dimension_numbers<[1], [0], [0], [1], [0, 0, 1, 1], [], []>, transpose_lhs_hint = false} : vector<512x96xf32>, vector<96x64xf32>, vector<512x64xf32> -> vector<512x64xf32>
    %add3A = vector.broadcast %get3A_22 : vector<1x64xf32> to vector<512x64xf32>
    %add3A_45 = arith.addf %dot_general3A_44, %add3A : vector<512x64xf32>
    %max3A = arith.constant 0.000000e+00 : f32
    %max3A_46 = vector.broadcast %max3A : f32 to vector<512x64xf32>
    %max3A_47 = arith.maximumf %add3A_45, %max3A_46 : vector<512x64xf32>
    %dot_general3A_48 = arith.constant dense<0.000000e+00> : vector<512x32xf32>
    %dot_general3A_49 = tpu.matmul %max3A_47, %get3A_25, %dot_general3A_48 {dimension_numbers = #tpu.dot_dimension_numbers<[1], [0], [0], [1], [0, 0, 1, 1], [], []>, transpose_lhs_hint = false} : vector<512x64xf32>, vector<64x32xf32>, vector<512x32xf32> -> vector<512x32xf32>
    %add3A_50 = vector.broadcast %get3A_28 : vector<1x32xf32> to vector<512x32xf32>
    %add3A_51 = arith.addf %dot_general3A_49, %add3A_50 : vector<512x32xf32>
    %max3A_52 = arith.constant 0.000000e+00 : f32
    %max3A_53 = vector.broadcast %max3A_52 : f32 to vector<512x32xf32>
    %max3A_54 = arith.maximumf %add3A_51, %max3A_53 : vector<512x32xf32>
    %dot_general3A_55 = arith.constant dense<0.000000e+00> : vector<512x1xf32>
    %dot_general3A_56 = tpu.matmul %max3A_54, %get3A_31, %dot_general3A_55 {dimension_numbers = #tpu.dot_dimension_numbers<[1], [0], [0], [1], [0, 0, 1, 1], [], []>, transpose_lhs_hint = false} : vector<512x32xf32>, vector<32x1xf32>, vector<512x1xf32> -> vector<512x1xf32>
    %add3A_57 = vector.broadcast %get3A_34 : vector<1x1xf32> to vector<512x1xf32>
    %add3A_58 = arith.addf %dot_general3A_56, %add3A_57 : vector<512x1xf32>
    %slice3A_59 = vector.extract_strided_slice %get3A_16 {offsets = [0, 1], sizes = [512, 1], strides = [1, 1]} : vector<512x8xf32> to vector<512x1xf32>
    %div3A_60 = arith.constant 1.000000e+03 : f32
    %div3A_61 = vector.broadcast %div3A_60 : f32 to vector<512x1xf32>
    %div3A_62 = arith.divf %slice3A_59, %div3A_61 : vector<512x1xf32>
    %concatenate3A_63 = tpu.concatenate %div3A_62, %broadcast_in_dim3A_35 in 1 : vector<512x1xf32>, vector<512x15xf32> -> vector<512x16xf32>
    %slice3A_64 = vector.extract_strided_slice %get3A_1 {offsets = [0, 16], sizes = [512, 16], strides = [1, 1]} : vector<512x128xf32> to vector<512x16xf32>
    %slice3A_65 = vector.extract_strided_slice %get3A_4 {offsets = [0, 16], sizes = [512, 16], strides = [1, 1]} : vector<512x128xf32> to vector<512x16xf32>
    %slice3A_66 = vector.extract_strided_slice %get3A_7 {offsets = [0, 16], sizes = [512, 16], strides = [1, 1]} : vector<512x128xf32> to vector<512x16xf32>
    %slice3A_67 = vector.extract_strided_slice %get3A_10 {offsets = [0, 16], sizes = [512, 16], strides = [1, 1]} : vector<512x128xf32> to vector<512x16xf32>
    %slice3A_68 = vector.extract_strided_slice %get3A_13 {offsets = [0, 16], sizes = [512, 16], strides = [1, 1]} : vector<512x128xf32> to vector<512x16xf32>
    %concatenate3A_69 = tpu.concatenate %slice3A_64, %slice3A_65, %slice3A_66, %slice3A_67, %slice3A_68, %concatenate3A_63 in 1 : vector<512x16xf32>, vector<512x16xf32>, vector<512x16xf32>, vector<512x16xf32>, vector<512x16xf32>, vector<512x16xf32> -> vector<512x96xf32>
    %dot_general3A_70 = arith.constant dense<0.000000e+00> : vector<512x64xf32>
    %dot_general3A_71 = tpu.matmul %concatenate3A_69, %get3A_19, %dot_general3A_70 {dimension_numbers = #tpu.dot_dimension_numbers<[1], [0], [0], [1], [0, 0, 1, 1], [], []>, transpose_lhs_hint = false} : vector<512x96xf32>, vector<96x64xf32>, vector<512x64xf32> -> vector<512x64xf32>
    %add3A_72 = vector.broadcast %get3A_22 : vector<1x64xf32> to vector<512x64xf32>
    %add3A_73 = arith.addf %dot_general3A_71, %add3A_72 : vector<512x64xf32>
    %max3A_74 = arith.constant 0.000000e+00 : f32
    %max3A_75 = vector.broadcast %max3A_74 : f32 to vector<512x64xf32>
    %max3A_76 = arith.maximumf %add3A_73, %max3A_75 : vector<512x64xf32>
    %dot_general3A_77 = arith.constant dense<0.000000e+00> : vector<512x32xf32>
    %dot_general3A_78 = tpu.matmul %max3A_76, %get3A_25, %dot_general3A_77 {dimension_numbers = #tpu.dot_dimension_numbers<[1], [0], [0], [1], [0, 0, 1, 1], [], []>, transpose_lhs_hint = false} : vector<512x64xf32>, vector<64x32xf32>, vector<512x32xf32> -> vector<512x32xf32>
    %add3A_79 = vector.broadcast %get3A_28 : vector<1x32xf32> to vector<512x32xf32>
    %add3A_80 = arith.addf %dot_general3A_78, %add3A_79 : vector<512x32xf32>
    %max3A_81 = arith.constant 0.000000e+00 : f32
    %max3A_82 = vector.broadcast %max3A_81 : f32 to vector<512x32xf32>
    %max3A_83 = arith.maximumf %add3A_80, %max3A_82 : vector<512x32xf32>
    %dot_general3A_84 = arith.constant dense<0.000000e+00> : vector<512x1xf32>
    %dot_general3A_85 = tpu.matmul %max3A_83, %get3A_31, %dot_general3A_84 {dimension_numbers = #tpu.dot_dimension_numbers<[1], [0], [0], [1], [0, 0, 1, 1], [], []>, transpose_lhs_hint = false} : vector<512x32xf32>, vector<32x1xf32>, vector<512x1xf32> -> vector<512x1xf32>
    %add3A_86 = vector.broadcast %get3A_34 : vector<1x1xf32> to vector<512x1xf32>
    %add3A_87 = arith.addf %dot_general3A_85, %add3A_86 : vector<512x1xf32>
    %slice3A_88 = vector.extract_strided_slice %get3A_16 {offsets = [0, 2], sizes = [512, 1], strides = [1, 1]} : vector<512x8xf32> to vector<512x1xf32>
    %div3A_89 = arith.constant 1.000000e+03 : f32
    %div3A_90 = vector.broadcast %div3A_89 : f32 to vector<512x1xf32>
    %div3A_91 = arith.divf %slice3A_88, %div3A_90 : vector<512x1xf32>
    %concatenate3A_92 = tpu.concatenate %div3A_91, %broadcast_in_dim3A_35 in 1 : vector<512x1xf32>, vector<512x15xf32> -> vector<512x16xf32>
    %slice3A_93 = vector.extract_strided_slice %get3A_1 {offsets = [0, 32], sizes = [512, 16], strides = [1, 1]} : vector<512x128xf32> to vector<512x16xf32>
    %slice3A_94 = vector.extract_strided_slice %get3A_4 {offsets = [0, 32], sizes = [512, 16], strides = [1, 1]} : vector<512x128xf32> to vector<512x16xf32>
    %slice3A_95 = vector.extract_strided_slice %get3A_7 {offsets = [0, 32], sizes = [512, 16], strides = [1, 1]} : vector<512x128xf32> to vector<512x16xf32>
    %slice3A_96 = vector.extract_strided_slice %get3A_10 {offsets = [0, 32], sizes = [512, 16], strides = [1, 1]} : vector<512x128xf32> to vector<512x16xf32>
    %slice3A_97 = vector.extract_strided_slice %get3A_13 {offsets = [0, 32], sizes = [512, 16], strides = [1, 1]} : vector<512x128xf32> to vector<512x16xf32>
    %concatenate3A_98 = tpu.concatenate %slice3A_93, %slice3A_94, %slice3A_95, %slice3A_96, %slice3A_97, %concatenate3A_92 in 1 : vector<512x16xf32>, vector<512x16xf32>, vector<512x16xf32>, vector<512x16xf32>, vector<512x16xf32>, vector<512x16xf32> -> vector<512x96xf32>
    %dot_general3A_99 = arith.constant dense<0.000000e+00> : vector<512x64xf32>
    %dot_general3A_100 = tpu.matmul %concatenate3A_98, %get3A_19, %dot_general3A_99 {dimension_numbers = #tpu.dot_dimension_numbers<[1], [0], [0], [1], [0, 0, 1, 1], [], []>, transpose_lhs_hint = false} : vector<512x96xf32>, vector<96x64xf32>, vector<512x64xf32> -> vector<512x64xf32>
    %add3A_101 = vector.broadcast %get3A_22 : vector<1x64xf32> to vector<512x64xf32>
    %add3A_102 = arith.addf %dot_general3A_100, %add3A_101 : vector<512x64xf32>
    %max3A_103 = arith.constant 0.000000e+00 : f32
    %max3A_104 = vector.broadcast %max3A_103 : f32 to vector<512x64xf32>
    %max3A_105 = arith.maximumf %add3A_102, %max3A_104 : vector<512x64xf32>
    %dot_general3A_106 = arith.constant dense<0.000000e+00> : vector<512x32xf32>
    %dot_general3A_107 = tpu.matmul %max3A_105, %get3A_25, %dot_general3A_106 {dimension_numbers = #tpu.dot_dimension_numbers<[1], [0], [0], [1], [0, 0, 1, 1], [], []>, transpose_lhs_hint = false} : vector<512x64xf32>, vector<64x32xf32>, vector<512x32xf32> -> vector<512x32xf32>
    %add3A_108 = vector.broadcast %get3A_28 : vector<1x32xf32> to vector<512x32xf32>
    %add3A_109 = arith.addf %dot_general3A_107, %add3A_108 : vector<512x32xf32>
    %max3A_110 = arith.constant 0.000000e+00 : f32
    %max3A_111 = vector.broadcast %max3A_110 : f32 to vector<512x32xf32>
    %max3A_112 = arith.maximumf %add3A_109, %max3A_111 : vector<512x32xf32>
    %dot_general3A_113 = arith.constant dense<0.000000e+00> : vector<512x1xf32>
    %dot_general3A_114 = tpu.matmul %max3A_112, %get3A_31, %dot_general3A_113 {dimension_numbers = #tpu.dot_dimension_numbers<[1], [0], [0], [1], [0, 0, 1, 1], [], []>, transpose_lhs_hint = false} : vector<512x32xf32>, vector<32x1xf32>, vector<512x1xf32> -> vector<512x1xf32>
    %add3A_115 = vector.broadcast %get3A_34 : vector<1x1xf32> to vector<512x1xf32>
    %add3A_116 = arith.addf %dot_general3A_114, %add3A_115 : vector<512x1xf32>
    %slice3A_117 = vector.extract_strided_slice %get3A_16 {offsets = [0, 3], sizes = [512, 1], strides = [1, 1]} : vector<512x8xf32> to vector<512x1xf32>
    %div3A_118 = arith.constant 1.000000e+03 : f32
    %div3A_119 = vector.broadcast %div3A_118 : f32 to vector<512x1xf32>
    %div3A_120 = arith.divf %slice3A_117, %div3A_119 : vector<512x1xf32>
    %concatenate3A_121 = tpu.concatenate %div3A_120, %broadcast_in_dim3A_35 in 1 : vector<512x1xf32>, vector<512x15xf32> -> vector<512x16xf32>
    %slice3A_122 = vector.extract_strided_slice %get3A_1 {offsets = [0, 48], sizes = [512, 16], strides = [1, 1]} : vector<512x128xf32> to vector<512x16xf32>
    %slice3A_123 = vector.extract_strided_slice %get3A_4 {offsets = [0, 48], sizes = [512, 16], strides = [1, 1]} : vector<512x128xf32> to vector<512x16xf32>
    %slice3A_124 = vector.extract_strided_slice %get3A_7 {offsets = [0, 48], sizes = [512, 16], strides = [1, 1]} : vector<512x128xf32> to vector<512x16xf32>
    %slice3A_125 = vector.extract_strided_slice %get3A_10 {offsets = [0, 48], sizes = [512, 16], strides = [1, 1]} : vector<512x128xf32> to vector<512x16xf32>
    %slice3A_126 = vector.extract_strided_slice %get3A_13 {offsets = [0, 48], sizes = [512, 16], strides = [1, 1]} : vector<512x128xf32> to vector<512x16xf32>
    %concatenate3A_127 = tpu.concatenate %slice3A_122, %slice3A_123, %slice3A_124, %slice3A_125, %slice3A_126, %concatenate3A_121 in 1 : vector<512x16xf32>, vector<512x16xf32>, vector<512x16xf32>, vector<512x16xf32>, vector<512x16xf32>, vector<512x16xf32> -> vector<512x96xf32>
    %dot_general3A_128 = arith.constant dense<0.000000e+00> : vector<512x64xf32>
    %dot_general3A_129 = tpu.matmul %concatenate3A_127, %get3A_19, %dot_general3A_128 {dimension_numbers = #tpu.dot_dimension_numbers<[1], [0], [0], [1], [0, 0, 1, 1], [], []>, transpose_lhs_hint = false} : vector<512x96xf32>, vector<96x64xf32>, vector<512x64xf32> -> vector<512x64xf32>
    %add3A_130 = vector.broadcast %get3A_22 : vector<1x64xf32> to vector<512x64xf32>
    %add3A_131 = arith.addf %dot_general3A_129, %add3A_130 : vector<512x64xf32>
    %max3A_132 = arith.constant 0.000000e+00 : f32
    %max3A_133 = vector.broadcast %max3A_132 : f32 to vector<512x64xf32>
    %max3A_134 = arith.maximumf %add3A_131, %max3A_133 : vector<512x64xf32>
    %dot_general3A_135 = arith.constant dense<0.000000e+00> : vector<512x32xf32>
    %dot_general3A_136 = tpu.matmul %max3A_134, %get3A_25, %dot_general3A_135 {dimension_numbers = #tpu.dot_dimension_numbers<[1], [0], [0], [1], [0, 0, 1, 1], [], []>, transpose_lhs_hint = false} : vector<512x64xf32>, vector<64x32xf32>, vector<512x32xf32> -> vector<512x32xf32>
    %add3A_137 = vector.broadcast %get3A_28 : vector<1x32xf32> to vector<512x32xf32>
    %add3A_138 = arith.addf %dot_general3A_136, %add3A_137 : vector<512x32xf32>
    %max3A_139 = arith.constant 0.000000e+00 : f32
    %max3A_140 = vector.broadcast %max3A_139 : f32 to vector<512x32xf32>
    %max3A_141 = arith.maximumf %add3A_138, %max3A_140 : vector<512x32xf32>
    %dot_general3A_142 = arith.constant dense<0.000000e+00> : vector<512x1xf32>
    %dot_general3A_143 = tpu.matmul %max3A_141, %get3A_31, %dot_general3A_142 {dimension_numbers = #tpu.dot_dimension_numbers<[1], [0], [0], [1], [0, 0, 1, 1], [], []>, transpose_lhs_hint = false} : vector<512x32xf32>, vector<32x1xf32>, vector<512x1xf32> -> vector<512x1xf32>
    %add3A_144 = vector.broadcast %get3A_34 : vector<1x1xf32> to vector<512x1xf32>
    %add3A_145 = arith.addf %dot_general3A_143, %add3A_144 : vector<512x1xf32>
    %slice3A_146 = vector.extract_strided_slice %get3A_16 {offsets = [0, 4], sizes = [512, 1], strides = [1, 1]} : vector<512x8xf32> to vector<512x1xf32>
    %div3A_147 = arith.constant 1.000000e+03 : f32
    %div3A_148 = vector.broadcast %div3A_147 : f32 to vector<512x1xf32>
    %div3A_149 = arith.divf %slice3A_146, %div3A_148 : vector<512x1xf32>
    %concatenate3A_150 = tpu.concatenate %div3A_149, %broadcast_in_dim3A_35 in 1 : vector<512x1xf32>, vector<512x15xf32> -> vector<512x16xf32>
    %slice3A_151 = vector.extract_strided_slice %get3A_1 {offsets = [0, 64], sizes = [512, 16], strides = [1, 1]} : vector<512x128xf32> to vector<512x16xf32>
    %slice3A_152 = vector.extract_strided_slice %get3A_4 {offsets = [0, 64], sizes = [512, 16], strides = [1, 1]} : vector<512x128xf32> to vector<512x16xf32>
    %slice3A_153 = vector.extract_strided_slice %get3A_7 {offsets = [0, 64], sizes = [512, 16], strides = [1, 1]} : vector<512x128xf32> to vector<512x16xf32>
    %slice3A_154 = vector.extract_strided_slice %get3A_10 {offsets = [0, 64], sizes = [512, 16], strides = [1, 1]} : vector<512x128xf32> to vector<512x16xf32>
    %slice3A_155 = vector.extract_strided_slice %get3A_13 {offsets = [0, 64], sizes = [512, 16], strides = [1, 1]} : vector<512x128xf32> to vector<512x16xf32>
    %concatenate3A_156 = tpu.concatenate %slice3A_151, %slice3A_152, %slice3A_153, %slice3A_154, %slice3A_155, %concatenate3A_150 in 1 : vector<512x16xf32>, vector<512x16xf32>, vector<512x16xf32>, vector<512x16xf32>, vector<512x16xf32>, vector<512x16xf32> -> vector<512x96xf32>
    %dot_general3A_157 = arith.constant dense<0.000000e+00> : vector<512x64xf32>
    %dot_general3A_158 = tpu.matmul %concatenate3A_156, %get3A_19, %dot_general3A_157 {dimension_numbers = #tpu.dot_dimension_numbers<[1], [0], [0], [1], [0, 0, 1, 1], [], []>, transpose_lhs_hint = false} : vector<512x96xf32>, vector<96x64xf32>, vector<512x64xf32> -> vector<512x64xf32>
    %add3A_159 = vector.broadcast %get3A_22 : vector<1x64xf32> to vector<512x64xf32>
    %add3A_160 = arith.addf %dot_general3A_158, %add3A_159 : vector<512x64xf32>
    %max3A_161 = arith.constant 0.000000e+00 : f32
    %max3A_162 = vector.broadcast %max3A_161 : f32 to vector<512x64xf32>
    %max3A_163 = arith.maximumf %add3A_160, %max3A_162 : vector<512x64xf32>
    %dot_general3A_164 = arith.constant dense<0.000000e+00> : vector<512x32xf32>
    %dot_general3A_165 = tpu.matmul %max3A_163, %get3A_25, %dot_general3A_164 {dimension_numbers = #tpu.dot_dimension_numbers<[1], [0], [0], [1], [0, 0, 1, 1], [], []>, transpose_lhs_hint = false} : vector<512x64xf32>, vector<64x32xf32>, vector<512x32xf32> -> vector<512x32xf32>
    %add3A_166 = vector.broadcast %get3A_28 : vector<1x32xf32> to vector<512x32xf32>
    %add3A_167 = arith.addf %dot_general3A_165, %add3A_166 : vector<512x32xf32>
    %max3A_168 = arith.constant 0.000000e+00 : f32
    %max3A_169 = vector.broadcast %max3A_168 : f32 to vector<512x32xf32>
    %max3A_170 = arith.maximumf %add3A_167, %max3A_169 : vector<512x32xf32>
    %dot_general3A_171 = arith.constant dense<0.000000e+00> : vector<512x1xf32>
    %dot_general3A_172 = tpu.matmul %max3A_170, %get3A_31, %dot_general3A_171 {dimension_numbers = #tpu.dot_dimension_numbers<[1], [0], [0], [1], [0, 0, 1, 1], [], []>, transpose_lhs_hint = false} : vector<512x32xf32>, vector<32x1xf32>, vector<512x1xf32> -> vector<512x1xf32>
    %add3A_173 = vector.broadcast %get3A_34 : vector<1x1xf32> to vector<512x1xf32>
    %add3A_174 = arith.addf %dot_general3A_172, %add3A_173 : vector<512x1xf32>
    %slice3A_175 = vector.extract_strided_slice %get3A_16 {offsets = [0, 5], sizes = [512, 1], strides = [1, 1]} : vector<512x8xf32> to vector<512x1xf32>
    %div3A_176 = arith.constant 1.000000e+03 : f32
    %div3A_177 = vector.broadcast %div3A_176 : f32 to vector<512x1xf32>
    %div3A_178 = arith.divf %slice3A_175, %div3A_177 : vector<512x1xf32>
    %concatenate3A_179 = tpu.concatenate %div3A_178, %broadcast_in_dim3A_35 in 1 : vector<512x1xf32>, vector<512x15xf32> -> vector<512x16xf32>
    %slice3A_180 = vector.extract_strided_slice %get3A_1 {offsets = [0, 80], sizes = [512, 16], strides = [1, 1]} : vector<512x128xf32> to vector<512x16xf32>
    %slice3A_181 = vector.extract_strided_slice %get3A_4 {offsets = [0, 80], sizes = [512, 16], strides = [1, 1]} : vector<512x128xf32> to vector<512x16xf32>
    %slice3A_182 = vector.extract_strided_slice %get3A_7 {offsets = [0, 80], sizes = [512, 16], strides = [1, 1]} : vector<512x128xf32> to vector<512x16xf32>
    %slice3A_183 = vector.extract_strided_slice %get3A_10 {offsets = [0, 80], sizes = [512, 16], strides = [1, 1]} : vector<512x128xf32> to vector<512x16xf32>
    %slice3A_184 = vector.extract_strided_slice %get3A_13 {offsets = [0, 80], sizes = [512, 16], strides = [1, 1]} : vector<512x128xf32> to vector<512x16xf32>
    %concatenate3A_185 = tpu.concatenate %slice3A_180, %slice3A_181, %slice3A_182, %slice3A_183, %slice3A_184, %concatenate3A_179 in 1 : vector<512x16xf32>, vector<512x16xf32>, vector<512x16xf32>, vector<512x16xf32>, vector<512x16xf32>, vector<512x16xf32> -> vector<512x96xf32>
    %dot_general3A_186 = arith.constant dense<0.000000e+00> : vector<512x64xf32>
    %dot_general3A_187 = tpu.matmul %concatenate3A_185, %get3A_19, %dot_general3A_186 {dimension_numbers = #tpu.dot_dimension_numbers<[1], [0], [0], [1], [0, 0, 1, 1], [], []>, transpose_lhs_hint = false} : vector<512x96xf32>, vector<96x64xf32>, vector<512x64xf32> -> vector<512x64xf32>
    %add3A_188 = vector.broadcast %get3A_22 : vector<1x64xf32> to vector<512x64xf32>
    %add3A_189 = arith.addf %dot_general3A_187, %add3A_188 : vector<512x64xf32>
    %max3A_190 = arith.constant 0.000000e+00 : f32
    %max3A_191 = vector.broadcast %max3A_190 : f32 to vector<512x64xf32>
    %max3A_192 = arith.maximumf %add3A_189, %max3A_191 : vector<512x64xf32>
    %dot_general3A_193 = arith.constant dense<0.000000e+00> : vector<512x32xf32>
    %dot_general3A_194 = tpu.matmul %max3A_192, %get3A_25, %dot_general3A_193 {dimension_numbers = #tpu.dot_dimension_numbers<[1], [0], [0], [1], [0, 0, 1, 1], [], []>, transpose_lhs_hint = false} : vector<512x64xf32>, vector<64x32xf32>, vector<512x32xf32> -> vector<512x32xf32>
    %add3A_195 = vector.broadcast %get3A_28 : vector<1x32xf32> to vector<512x32xf32>
    %add3A_196 = arith.addf %dot_general3A_194, %add3A_195 : vector<512x32xf32>
    %max3A_197 = arith.constant 0.000000e+00 : f32
    %max3A_198 = vector.broadcast %max3A_197 : f32 to vector<512x32xf32>
    %max3A_199 = arith.maximumf %add3A_196, %max3A_198 : vector<512x32xf32>
    %dot_general3A_200 = arith.constant dense<0.000000e+00> : vector<512x1xf32>
    %dot_general3A_201 = tpu.matmul %max3A_199, %get3A_31, %dot_general3A_200 {dimension_numbers = #tpu.dot_dimension_numbers<[1], [0], [0], [1], [0, 0, 1, 1], [], []>, transpose_lhs_hint = false} : vector<512x32xf32>, vector<32x1xf32>, vector<512x1xf32> -> vector<512x1xf32>
    %add3A_202 = vector.broadcast %get3A_34 : vector<1x1xf32> to vector<512x1xf32>
    %add3A_203 = arith.addf %dot_general3A_201, %add3A_202 : vector<512x1xf32>
    %slice3A_204 = vector.extract_strided_slice %get3A_16 {offsets = [0, 6], sizes = [512, 1], strides = [1, 1]} : vector<512x8xf32> to vector<512x1xf32>
    %div3A_205 = arith.constant 1.000000e+03 : f32
    %div3A_206 = vector.broadcast %div3A_205 : f32 to vector<512x1xf32>
    %div3A_207 = arith.divf %slice3A_204, %div3A_206 : vector<512x1xf32>
    %concatenate3A_208 = tpu.concatenate %div3A_207, %broadcast_in_dim3A_35 in 1 : vector<512x1xf32>, vector<512x15xf32> -> vector<512x16xf32>
    %slice3A_209 = vector.extract_strided_slice %get3A_1 {offsets = [0, 96], sizes = [512, 16], strides = [1, 1]} : vector<512x128xf32> to vector<512x16xf32>
    %slice3A_210 = vector.extract_strided_slice %get3A_4 {offsets = [0, 96], sizes = [512, 16], strides = [1, 1]} : vector<512x128xf32> to vector<512x16xf32>
    %slice3A_211 = vector.extract_strided_slice %get3A_7 {offsets = [0, 96], sizes = [512, 16], strides = [1, 1]} : vector<512x128xf32> to vector<512x16xf32>
    %slice3A_212 = vector.extract_strided_slice %get3A_10 {offsets = [0, 96], sizes = [512, 16], strides = [1, 1]} : vector<512x128xf32> to vector<512x16xf32>
    %slice3A_213 = vector.extract_strided_slice %get3A_13 {offsets = [0, 96], sizes = [512, 16], strides = [1, 1]} : vector<512x128xf32> to vector<512x16xf32>
    %concatenate3A_214 = tpu.concatenate %slice3A_209, %slice3A_210, %slice3A_211, %slice3A_212, %slice3A_213, %concatenate3A_208 in 1 : vector<512x16xf32>, vector<512x16xf32>, vector<512x16xf32>, vector<512x16xf32>, vector<512x16xf32>, vector<512x16xf32> -> vector<512x96xf32>
    %dot_general3A_215 = arith.constant dense<0.000000e+00> : vector<512x64xf32>
    %dot_general3A_216 = tpu.matmul %concatenate3A_214, %get3A_19, %dot_general3A_215 {dimension_numbers = #tpu.dot_dimension_numbers<[1], [0], [0], [1], [0, 0, 1, 1], [], []>, transpose_lhs_hint = false} : vector<512x96xf32>, vector<96x64xf32>, vector<512x64xf32> -> vector<512x64xf32>
    %add3A_217 = vector.broadcast %get3A_22 : vector<1x64xf32> to vector<512x64xf32>
    %add3A_218 = arith.addf %dot_general3A_216, %add3A_217 : vector<512x64xf32>
    %max3A_219 = arith.constant 0.000000e+00 : f32
    %max3A_220 = vector.broadcast %max3A_219 : f32 to vector<512x64xf32>
    %max3A_221 = arith.maximumf %add3A_218, %max3A_220 : vector<512x64xf32>
    %dot_general3A_222 = arith.constant dense<0.000000e+00> : vector<512x32xf32>
    %dot_general3A_223 = tpu.matmul %max3A_221, %get3A_25, %dot_general3A_222 {dimension_numbers = #tpu.dot_dimension_numbers<[1], [0], [0], [1], [0, 0, 1, 1], [], []>, transpose_lhs_hint = false} : vector<512x64xf32>, vector<64x32xf32>, vector<512x32xf32> -> vector<512x32xf32>
    %add3A_224 = vector.broadcast %get3A_28 : vector<1x32xf32> to vector<512x32xf32>
    %add3A_225 = arith.addf %dot_general3A_223, %add3A_224 : vector<512x32xf32>
    %max3A_226 = arith.constant 0.000000e+00 : f32
    %max3A_227 = vector.broadcast %max3A_226 : f32 to vector<512x32xf32>
    %max3A_228 = arith.maximumf %add3A_225, %max3A_227 : vector<512x32xf32>
    %dot_general3A_229 = arith.constant dense<0.000000e+00> : vector<512x1xf32>
    %dot_general3A_230 = tpu.matmul %max3A_228, %get3A_31, %dot_general3A_229 {dimension_numbers = #tpu.dot_dimension_numbers<[1], [0], [0], [1], [0, 0, 1, 1], [], []>, transpose_lhs_hint = false} : vector<512x32xf32>, vector<32x1xf32>, vector<512x1xf32> -> vector<512x1xf32>
    %add3A_231 = vector.broadcast %get3A_34 : vector<1x1xf32> to vector<512x1xf32>
    %add3A_232 = arith.addf %dot_general3A_230, %add3A_231 : vector<512x1xf32>
    %slice3A_233 = vector.extract_strided_slice %get3A_16 {offsets = [0, 7], sizes = [512, 1], strides = [1, 1]} : vector<512x8xf32> to vector<512x1xf32>
    %div3A_234 = arith.constant 1.000000e+03 : f32
    %div3A_235 = vector.broadcast %div3A_234 : f32 to vector<512x1xf32>
    %div3A_236 = arith.divf %slice3A_233, %div3A_235 : vector<512x1xf32>
    %concatenate3A_237 = tpu.concatenate %div3A_236, %broadcast_in_dim3A_35 in 1 : vector<512x1xf32>, vector<512x15xf32> -> vector<512x16xf32>
    %slice3A_238 = vector.extract_strided_slice %get3A_1 {offsets = [0, 112], sizes = [512, 16], strides = [1, 1]} : vector<512x128xf32> to vector<512x16xf32>
    %slice3A_239 = vector.extract_strided_slice %get3A_4 {offsets = [0, 112], sizes = [512, 16], strides = [1, 1]} : vector<512x128xf32> to vector<512x16xf32>
    %slice3A_240 = vector.extract_strided_slice %get3A_7 {offsets = [0, 112], sizes = [512, 16], strides = [1, 1]} : vector<512x128xf32> to vector<512x16xf32>
    %slice3A_241 = vector.extract_strided_slice %get3A_10 {offsets = [0, 112], sizes = [512, 16], strides = [1, 1]} : vector<512x128xf32> to vector<512x16xf32>
    %slice3A_242 = vector.extract_strided_slice %get3A_13 {offsets = [0, 112], sizes = [512, 16], strides = [1, 1]} : vector<512x128xf32> to vector<512x16xf32>
    %concatenate3A_243 = tpu.concatenate %slice3A_238, %slice3A_239, %slice3A_240, %slice3A_241, %slice3A_242, %concatenate3A_237 in 1 : vector<512x16xf32>, vector<512x16xf32>, vector<512x16xf32>, vector<512x16xf32>, vector<512x16xf32>, vector<512x16xf32> -> vector<512x96xf32>
    %dot_general3A_244 = arith.constant dense<0.000000e+00> : vector<512x64xf32>
    %dot_general3A_245 = tpu.matmul %concatenate3A_243, %get3A_19, %dot_general3A_244 {dimension_numbers = #tpu.dot_dimension_numbers<[1], [0], [0], [1], [0, 0, 1, 1], [], []>, transpose_lhs_hint = false} : vector<512x96xf32>, vector<96x64xf32>, vector<512x64xf32> -> vector<512x64xf32>
    %add3A_246 = vector.broadcast %get3A_22 : vector<1x64xf32> to vector<512x64xf32>
    %add3A_247 = arith.addf %dot_general3A_245, %add3A_246 : vector<512x64xf32>
    %max3A_248 = arith.constant 0.000000e+00 : f32
    %max3A_249 = vector.broadcast %max3A_248 : f32 to vector<512x64xf32>
    %max3A_250 = arith.maximumf %add3A_247, %max3A_249 : vector<512x64xf32>
    %dot_general3A_251 = arith.constant dense<0.000000e+00> : vector<512x32xf32>
    %dot_general3A_252 = tpu.matmul %max3A_250, %get3A_25, %dot_general3A_251 {dimension_numbers = #tpu.dot_dimension_numbers<[1], [0], [0], [1], [0, 0, 1, 1], [], []>, transpose_lhs_hint = false} : vector<512x64xf32>, vector<64x32xf32>, vector<512x32xf32> -> vector<512x32xf32>
    %add3A_253 = vector.broadcast %get3A_28 : vector<1x32xf32> to vector<512x32xf32>
    %add3A_254 = arith.addf %dot_general3A_252, %add3A_253 : vector<512x32xf32>
    %max3A_255 = arith.constant 0.000000e+00 : f32
    %max3A_256 = vector.broadcast %max3A_255 : f32 to vector<512x32xf32>
    %max3A_257 = arith.maximumf %add3A_254, %max3A_256 : vector<512x32xf32>
    %dot_general3A_258 = arith.constant dense<0.000000e+00> : vector<512x1xf32>
    %dot_general3A_259 = tpu.matmul %max3A_257, %get3A_31, %dot_general3A_258 {dimension_numbers = #tpu.dot_dimension_numbers<[1], [0], [0], [1], [0, 0, 1, 1], [], []>, transpose_lhs_hint = false} : vector<512x32xf32>, vector<32x1xf32>, vector<512x1xf32> -> vector<512x1xf32>
    %add3A_260 = vector.broadcast %get3A_34 : vector<1x1xf32> to vector<512x1xf32>
    %add3A_261 = arith.addf %dot_general3A_259, %add3A_260 : vector<512x1xf32>
    %concatenate3A_262 = tpu.concatenate %add3A_58, %add3A_87, %add3A_116, %add3A_145, %add3A_174, %add3A_203, %add3A_232, %add3A_261 in 1 : vector<512x1xf32>, vector<512x1xf32>, vector<512x1xf32>, vector<512x1xf32>, vector<512x1xf32>, vector<512x1xf32>, vector<512x1xf32>, vector<512x1xf32> -> vector<512x8xf32>
    %swap3A = arith.constant 0 : index
    %swap3A_263 = arith.constant 0 : index
    %swap3A_264 = vector.load %arg13[%swap3A, %swap3A_263] : memref<512x8xf32, #tpu.memory_space<vmem>>, vector<512x8xf32>
    tpu.vector_store %arg13[%swap3A, %swap3A_263], %concatenate3A_262 {strides = array<i32>} : memref<512x8xf32, #tpu.memory_space<vmem>>, vector<512x8xf32>,
    return
  }
  func.func @transform_0(%arg0: i32) -> (i32, i32) {
    %c0_i32 = arith.constant 0 : i32
    %c0_i32_0 = arith.constant 0 : i32
    return %arg0, %c0_i32 : i32, i32
  }
  func.func @transform_1(%arg0: i32) -> (i32, i32) {
    %c0_i32 = arith.constant 0 : i32
    %c0_i32_0 = arith.constant 0 : i32
    return %arg0, %c0_i32 : i32, i32
  }
  func.func @transform_2(%arg0: i32) -> (i32, i32) {
    %c0_i32 = arith.constant 0 : i32
    %c0_i32_0 = arith.constant 0 : i32
    return %arg0, %c0_i32 : i32, i32
  }
  func.func @transform_3(%arg0: i32) -> (i32, i32) {
    %c0_i32 = arith.constant 0 : i32
    %c0_i32_0 = arith.constant 0 : i32
    return %arg0, %c0_i32 : i32, i32
  }
  func.func @transform_4(%arg0: i32) -> (i32, i32) {
    %c0_i32 = arith.constant 0 : i32
    %c0_i32_0 = arith.constant 0 : i32
    return %arg0, %c0_i32 : i32, i32
  }
  func.func @transform_5(%arg0: i32) -> (i32, i32) {
    %c0_i32 = arith.constant 0 : i32
    %c0_i32_0 = arith.constant 0 : i32
    return %arg0, %c0_i32 : i32, i32
  }
  func.func @transform_6(%arg0: i32) -> (i32, i32) {
    %c0_i32 = arith.constant 0 : i32
    %c0_i32_0 = arith.constant 0 : i32
    %c0_i32_1 = arith.constant 0 : i32
    return %c0_i32, %c0_i32_0 : i32, i32
  }
  func.func @transform_7(%arg0: i32) -> (i32, i32) {
    %c0_i32 = arith.constant 0 : i32
    %c0_i32_0 = arith.constant 0 : i32
    %c0_i32_1 = arith.constant 0 : i32
    return %c0_i32, %c0_i32_0 : i32, i32
  }
  func.func @transform_8(%arg0: i32) -> (i32, i32) {
    %c0_i32 = arith.constant 0 : i32
    %c0_i32_0 = arith.constant 0 : i32
    %c0_i32_1 = arith.constant 0 : i32
    return %c0_i32, %c0_i32_0 : i32, i32
  }
  func.func @transform_9(%arg0: i32) -> (i32, i32) {
    %c0_i32 = arith.constant 0 : i32
    %c0_i32_0 = arith.constant 0 : i32
    %c0_i32_1 = arith.constant 0 : i32
    return %c0_i32, %c0_i32_0 : i32, i32
  }
  func.func @transform_10(%arg0: i32) -> (i32, i32) {
    %c0_i32 = arith.constant 0 : i32
    %c0_i32_0 = arith.constant 0 : i32
    %c0_i32_1 = arith.constant 0 : i32
    return %c0_i32, %c0_i32_0 : i32, i32
  }
  func.func @transform_11(%arg0: i32) -> (i32, i32) {
    %c0_i32 = arith.constant 0 : i32
    %c0_i32_0 = arith.constant 0 : i32
    %c0_i32_1 = arith.constant 0 : i32
    return %c0_i32, %c0_i32_0 : i32, i32
  }
  func.func @transform_12(%arg0: i32) -> (i32, i32) {
    %c0_i32 = arith.constant 0 : i32
    %c0_i32_0 = arith.constant 0 : i32
    return %arg0, %c0_i32 : i32, i32
  }
}

</mosaic_0001>

<sc_bundles>
// kernel: kernel.11.cloned.1.call-start
scs
__scs_entry_jumppad:
0x0: {  	(pc) =	sbr.rel $0x88, $3  }
0x1: {  	(tag) =	ssettag $0x0;
	lr =	simm.s32 $0x1  }
0x2: {  	[smem:$0x3F90] =	sst lr;
	_ =	strace $0xD0000000  }
0x3: {  	_ = 	snop  }
0x4: {  	_ = 	snop  }
0x5: {  	_ = 	snop  }
0x6: {  	_ = 	snop  }
0x7: {  	_ = 	snop  }
__scs_overlays_trampoline_lowered:
0x8: {  	[smem:$0x3F9F] =	sst s0  }
0x9: {  	[smem:$0x3FA0] =	sst s1  }
0xa: {  	[smem:$0x3FA1] =	sst s2  }
0xb: {  	[smem:$0x3FA2] =	sst s3  }
0xc: {  	[smem:$0x3FA3] =	sst s4  }
0xd: {  	[smem:$0x3FA4] =	sst s5  }
0xe: {  	[smem:$0x3FA5] =	sst s6  }
0xf: {  	[smem:$0x3FA6] =	sst s7  }
0x10: {  	[smem:$0x3FA7] =	sst s8  }
0x11: {  	[smem:$0x3FA8] =	sst s9;
	s0 =	simm.s32 @!p0 $0x0  }
0x12: {  	s1 =	sld [smem:$0x3F8E];
	s0 =	simm.s32 @p0 $0x1  }
0x13: {  	[smem:$0x3FA9] =	sst s0;
	s0 =	simm.s32 @!p1 $0x0  }
0x14: {  	s2 =	sld [smem:$0x3F8D];
	s0 =	simm.s32 @p1 $0x1  }
0x15: {  	[smem:$0x3FAA] =	sst s0;
	s0 =	simm.s32 @!p2 $0x0  }
0x16: {  	s3 =	sld [smem:$0x3FDB];
	s0 =	simm.s32 @p2 $0x1  }
0x17: {  	s4 =	simm.s32 $0x1BF5;
	[smem:$0x3FAC] =	sst s0  }
0x18: {  	s0 =	sld [smem:$0x3F8F];
	_ =	swait.ge [sflag:s4], $0x0  }
0x19: {  	s7 =	sld [smem:$0x3F90]  }
0x1a: {  	s8 =	sadd.s32 $0xFFFFE003, lr  }
0x1b: {  	s9 =	sadd.s32 $0xFFFFFEF7, lr;
	s5 =	simm.s32 $0xFFFFFFFF;
	p2 =	slt.u32 s8, $0xFFFFF086  }
0x1c: {  	p1 =	slt.u32 s9, $0xF7A;
	s5 =	simm.s32 @!p2 $0x0  }
0x1d: {  	s5 =	simm.s32 @p1 $0x1;
	p0 =	seq.s32 s7, s2  }
0x1e: {  	s7 =	smul.u32 @!p0 $0xF7A, s2;
	p2 =	seq.s32 @!p0 s5, $0x0  }
0x1f: {  	s9 =	smul.u32 $0xF7A, s1;
	s8 =	simm.s32 @!p0 $0x1BF5;
	p2 =	por !p2, p0  }
0x20: {  	[sflag:s8] =	ssyncset.s32 @!p0 $0xFFFFF086;
	s6 =	sadd.s32 @!p0 s3, s7;
	s7 =	simm.s32 @!p0 $0x108  }
0x21: {  	s3 =	sadd.s32 s3, s9;
	s6 =	sadd.s32 @!p0 $0x88, s6;
	s7 =	simm.s32 @p2 $0x1082  }
0x22: {  	[simem:s7], [sflag:s8] =	dma.local @!p0 [hbm:s6], $0xF7A  }
0x23: {  	s9 =	sor.u32 $0xD0000000, s2;
	s6 =	simm.s32 $0x108;
	_ =	swait.ge @!p0 [sflag:s8], $0x0  }
0x24: {  	s3 =	sadd.s32 $0x88, s3;
	s6 =	simm.s32 @!p1 $0x1082;
	[sflag:s4] =	ssyncset.s32 $0xFFFFF086  }
0x25: {  	[simem:s6], [sflag:s4] =	dma.local [hbm:s3], $0xF7A  }
0x26: {  	[smem:$0x3F90] =	sst s1;
	(tag) =	ssettag s2;
	_ =	strace s9  }
0x27: {  	s1 =	sld [smem:$0x3FA0]  }
0x28: {  	s2 =	sld [smem:$0x3FA1]  }
0x29: {  	s4 =	sld [smem:$0x3FA3]  }
0x2a: {  	p0 =	seq.s32 s5, $0x0;
	s5 =	sld [smem:$0x3FA4]  }
0x2b: {  	s6 =	sld [smem:$0x3FA5]  }
0x2c: {  	s7 =	sld [smem:$0x3FA6]  }
0x2d: {  	s3 =	simm.s32 $0x108;
	s8 =	sld [smem:$0x3FA7]  }
0x2e: {  	s3 =	simm.s32 @!p0 $0x1082;
	s9 =	sld [smem:$0x3FA8]  }
0x2f: {  	lr =	sadd.s32 s0, s3;
	s0 =	sld [smem:$0x3F9F]  }
0x30: {  	s3 =	sld [smem:$0x3FA2]  }
0x31: {  	[smem:$0x3FAB] =	sst s10  }
0x32: {  	s10 =	sld [smem:$0x3FA9];
	_ =	sdelay $0x3  }
0x33: {  	p0 =	seq.s32 s10, $0x1;
	s10 =	sld [smem:$0x3FAB];
	_ =	sdelay $0x3  }
0x34: {  	[smem:$0x3FAB] =	sst s10  }
0x35: {  	s10 =	sld [smem:$0x3FAA];
	_ =	sdelay $0x3  }
0x36: {  	p1 =	seq.s32 s10, $0x1;
	s10 =	sld [smem:$0x3FAB];
	_ =	sdelay $0x3  }
0x37: {  	[smem:$0x3FAB] =	sst s10  }
0x38: {  	s10 =	sld [smem:$0x3FAC]  }
0x39: {  	_ = 	snop;
	(pc) =	sbr.ind lr, $3  }
0x3a: {  	_ = 	snop  }
0x3b: {  	_ = 	snop  }
0x3c: {  	p2 =	seq.s32 s10, $0x1;
	s10 =	sld [smem:$0x3FAB]  }
0x3d: {  	_ =	shalt  }
0x3e: {  	_ =	shalt  }
0x3f: {  	_ =	shalt  }
0x40: {  	_ =	shalt  }
0x41: {  	_ =	shalt  }
0x42: {  	_ =	shalt  }
0x43: {  	_ =	shalt  }
0x44: {  	_ =	shalt  }
0x45: {  	_ =	shalt  }
0x46: {  	_ =	shalt  }
0x47: {  	_ =	shalt  }
0x48: {  	_ =	shalt  }
0x49: {  	_ =	shalt  }
0x4a: {  	_ =	shalt  }
0x4b: {  	_ =	shalt  }
0x4c: {  	_ =	shalt  }
0x4d: {  	_ =	shalt  }
0x4e: {  	_ =	shalt  }
0x4f: {  	_ =	shalt  }
0x50: {  	_ =	shalt  }
0x51: {  	_ =	shalt  }
0x52: {  	_ =	shalt  }
0x53: {  	_ =	shalt  }
0x54: {  	_ =	shalt  }
0x55: {  	_ =	shalt  }
0x56: {  	_ =	shalt  }
0x57: {  	_ =	shalt  }
0x58: {  	_ =	shalt  }
0x59: {  	_ =	shalt  }
0x5a: {  	_ =	shalt  }
0x5b: {  	_ =	shalt  }
0x5c: {  	_ =	shalt  }
0x5d: {  	_ =	shalt  }
0x5e: {  	_ =	shalt  }
0x5f: {  	_ =	shalt  }
0x60: {  	_ =	shalt  }
0x61: {  	_ =	shalt  }
0x62: {  	_ =	shalt  }
0x63: {  	_ =	shalt  }
0x64: {  	_ =	shalt  }
0x65: {  	_ =	shalt  }
0x66: {  	_ =	shalt  }
0x67: {  	_ =	shalt  }
0x68: {  	_ =	shalt  }
0x69: {  	_ =	shalt  }
0x6a: {  	_ =	shalt  }
0x6b: {  	_ =	shalt  }
0x6c: {  	_ =	shalt  }
0x6d: {  	_ =	shalt  }
0x6e: {  	_ =	shalt  }
0x6f: {  	_ =	shalt  }
0x70: {  	_ =	shalt  }
0x71: {  	_ =	shalt  }
0x72: {  	_ =	shalt  }
0x73: {  	_ =	shalt  }
0x74: {  	_ =	shalt  }
0x75: {  	_ =	shalt  }
0x76: {  	_ =	shalt  }
0x77: {  	_ =	shalt  }
0x78: {  	_ =	shalt  }
0x79: {  	_ =	shalt  }
0x7a: {  	_ =	shalt  }
0x7b: {  	_ =	shalt  }
0x7c: {  	_ =	shalt  }
0x7d: {  	_ =	shalt  }
0x7e: {  	_ =	shalt  }
0x7f: {  	_ =	shalt  }
0x80: {  	_ =	shalt  }
0x81: {  	_ =	shalt  }
0x82: {  	_ =	shalt  }
0x83: {  	_ =	shalt  }
0x84: {  	_ =	shalt  }
0x85: {  	_ =	shalt  }
0x86: {  	_ =	shalt  }
0x87: {  	_ =	shalt  }
.Lfunc_end0:
.L_simem_size_0:
called_computation.1_lowered:
.L_overlay_start_0:
0x88: {  	s2 =	sld [smem:$0x3FD9]  }
0x89: {  	s3 =	sld [smem:$0x3FFE];
	_ =	sdelay $0x1  }
0x8a: {  	s1 =	srdreg.scid  }
0x8b: {  	s0 =	sand.u32 $0x1, s1  }
0x8c: {  	s17 =	sshll.u32 s0, $0xA;
	s2 =	sadd.s32 s3, s2  }
0x8d: {  	s2 =	sadd.s32 s2, s17  }
0x8e: {  	[smem:$0x3FB7] =	sst s2  }
0x8f: {  	_ = 	snop  }
0x90: {  	s2 =	sld [smem:$0x3FD0];
	(tm) =	ssettm $0x1  }
0x91: {  	s18 =	sld [smem:$0x3FFB];
	_ =	sdelay $0x3  }
0x92: {  	_ =	strace s18  }
0x93: {  	s3 =	sld [smem:$0x3FFC];
	_ =	sdelay $0x3  }
0x94: {  	_ =	strace s3  }
0x95: {  	s3 =	sld [smem:$0x3FFD];
	_ =	sdelay $0x3  }
0x96: {  	_ =	strace s3  }
0x97: {  	_ =	strace $0x8FFFFFFF  }
0x98: {  	s19 =	sld [smem:$0x3FDB];
	_ =	sdelay $0x1  }
0x99: {  	s4 =	simm.s32 $_scs_section_size  }
0x9a: {  	s5 =	simm.s32 $_size__tile_overlayer_lowered;
	s6 =	simm.s32 $_tile_overlayer_lowered  }
0x9b: {  	s22 =	simm.s32 $0x1BFF;
	s21 =	sshll.u32 s6, $0x1;
	s3 =	sadd.s32 s4, s19  }
0x9c: {  	s7 =	simm.s32 $0x0;
	s20 =	sshll.u32 s5, $0x1;
	s5 =	sadd.s32 s21, s3  }
0x9d: {  	[timem:s7], [sflag:s22] =	dma.local [hbm:s5], s20  }
0x9e: {  	_ =	swait.ge [sflag:s22], s20  }
0x9f: {  	s4 =	ssub.s32 $0x0, s20;
	[sflag:s22] =	ssyncset.done $0x0  }
0xa0: {  	[sflag:s22] =	ssyncadd.s32 s4;
	_ =	sdelay $0x1  }
0xa1: {  	s23 =	simm.s32 $0x1B8B  }
0xa2: {  	_ =	swait.ge [sflag:s23], $0x1  }
0xa3: {  	[sflag:s23] =	ssyncset.done $0x0  }
0xa4: {  	s25 =	simm.s32 $0x1B8E;
	s24 =	sld [smem:$0x3FFE];
	[sflag:s23] =	ssyncadd.s32 $0xFFFFFFFF  }
0xa5: {  	s26 =	simm.s32 $execute0_lowered;
	[smem:$0x3FD2] =	sst s25  }
0xa6: {  	s5 =	sshll.u32 s26, $0x1;
	_ =	strace $0x80000046;
	[dreg:$0x1] =	wrdreg $0xFFFFFFFF  }
0xa7: {  	s28 =	simm.s32 $_size_execute0_lowered;
	s3 =	sadd.s32 s3, s5;
	[dreg:$0x0] =	wrdreg $0x0  }
0xa8: {  	s5 =	sshll.u32 s28, $0x1;
	[dreg:$0x2] =	wrdreg s3  }
0xa9: {  	[dreg:$0x3] =	wrdreg s5  }
0xaa: {  	[dreg:$0x4] =	wrdreg $0xC0  }
0xab: {  	_ =	task [dreg:s7], $0x5FFFF  }
0xac: {  	[dreg:$0x1] =	wrdreg $0xFFFFFFFF  }
0xad: {  	[dreg:$0x0] =	wrdreg $0x60  }
0xae: {  	[dreg:$0x2] =	wrdreg s2  }
0xaf: {  	[dreg:$0x3] =	wrdreg s24  }
0xb0: {  	[dreg:$0x4] =	wrdreg $0xA  }
0xb1: {  	_ =	task.clear_ibuf [dreg:s7], $0x5FFFF;
	_ =	strace $0x90000046  }
0xb2: {  	s29 =	simm.s32 $0xA;
	_ =	strace $0x80000048  }
0xb3: {  	_ =	swait.ge [sflag:s29], $0x1  }
0xb4: {  	[sflag:s29] =	ssyncadd.s32 $0xFFFFFFFF  }
0xb5: {  	_ =	strace $0x90000048  }
0xb6: {  	_ =	sfence  }
0xb7: {  	s30 =	sld [smem:$0x0];
	_ =	sdelay $0x2  }
0xb8: {  	s31 =	sshll.u32 s1, $0xD;
	s1 =	sshrl.u32 s1, $0x2  }
0xb9: {  	s3 =	sand.u32 $0x4000, s31;
	s1 =	sadd.s32 s1, s30  }
0xba: {  	s0 =	sor.u32 s3, s0;
	s1 =	sshll.u32 s1, $0x11  }
0xbb: {  	s0 =	sor.u32 s1, s0  }
0xbc: {  	s0 =	sadd.s32 $0x8F2B, s0  }
0xbd: {  	[sflag:s0] =	ssyncadd.remote.s32 $0x1  }
0xbe: {  	_ =	sfence.sel $0xFFFF  }
0xbf: {  	[dreg:$0x0] =	wrdreg $0xFFFFFFFF;
	(pc) =	sbr.abs _section_cstart, $3  }
0xc0: {  	[dreg:$0x1] =	wrdreg $0xFFFFFFFF  }
0xc1: {  	_ =	task.clear_ibuf [dreg:s7], $0x2FFFF;
	_ =	strace $0x9FFFFFFF  }
0xc2: {  	(tm) =	ssettm $0x7FFFFFFF  }
0xc3: {  	_ =	shalt  }
tec
execute0_lowered:
.L_overlay_start_1:
0x0: {  	(tag) =	ssettag $0x1  }
0x1: {  	s1 =	srdreg.scid  }
0x2: {  	s3 =	rddreg [dreg:$0x0];
	s0 =	stileid.u32  }
0x3: {  	s8 =	rddreg [dreg:$0x1];
	s2 =	simm.s32 $0x0;
	s6 =	sand.u32 $0x1, s1  }
0x4: {  	s4 =	sshll.u32 s0, $0xA;
	s1 =	rddreg [dreg:$0x2];
	s5 =	sshll.u32 s6, $0x9  }
0x5: {  	s7 =	simm.s32 $0x1;
	[smem:$0x7FF] =	sst s2;
	s9 =	sor.u32 s5, s4  }
0x6: {  	_ =	strace $0x80000047;
	s10 =	ssub.s32 $0x2, s6;
	s4 =	sshrl.u32 s9, $0x3  }
0x7: {  	s6 =	simm.s32 $0x200;
	s4 =	sadd.s32 s3, s4;
	s3 =	simm.s32 $0x2  }
0x8: {  	[tilespmem:s2], [sflag:$0x2] =	stream.linear.gather [hbm4b:s4+s2], $0x200, $0x38;
	[tilespmem:$0x2200] =	vst v63  }
0x9: {  	s5 =	sadd.s32 $0x3800, s8;
	s11 =	sshrl.u32 s10, $0x1;
	_ =	swait.ge [sflag:s3], $0x200  }
0xa: {  	s9 =	sshll.u32 s9, $0x1;
	s31 =	ssub.s32 s10, s11;
	[sflag:s3] =	ssyncset.done $0x0  }
0xb: {  	s8 =	sadd.s32 s9, s8;
	s9 =	smax.u32 s31, $0x1;
	[sflag:s3] =	ssyncadd.s32 $0xFFFFFE00  }
0xc: {  	[tilespmem:s6], [sflag:$0x1] =	stream.indirect.gather [hbm4b:s5+s6], $0x10, s2, s6, $0xb8;
	[tilespmem:$0x2200] =	vst v63  }
0xd: {  	p0 =	sne.s32 s9, $0x1;
	_ =	swait.ge [sflag:s7], $0x2000  }
.Ltmp0:
0xe: {  	[sflag:s7] =	ssyncset.done $0x0;
	(pc) =	sbr.rel @!p0 .LBB2_2-.Ltmp0, $4  }
0xf: {  	s8 =	sadd.s32 $0x203800, s8;
	[sflag:s7] =	ssyncadd.s32 $0xFFFFE000  }
0x10: {  	[hbm4b:s8+s2] =	stream.linear.scatter [tilespmem:s6], [sflag:$0x2], $0x2000, $0x38;
	[tilespmem:$0x2200] =	vst v63  }
0x11: {  	_ =	swait.ge [sflag:s3], $0x2000  }
0x12: {  	s9 =	sadd.s32 $0xFFFFFFFF, s9;
	[sflag:s3] =	ssyncset.done $0x0  }
.LBB2_1:
0x13: {  	p0 =	sne.s32 s9, $0x1;
	s9 =	sadd.s32 $0xFFFFFFFF, s9;
	[sflag:s3] =	ssyncadd.s32 $0xFFFFE000  }
0x14: {  	[tilespmem:s2], [sflag:$0x2] =	stream.linear.gather [hbm4b:s4+s2], $0x200, $0x38;
	[tilespmem:$0x2200] =	vst v63  }
0x15: {  	_ =	swait.ge [sflag:s3], $0x200  }
0x16: {  	[sflag:s3] =	ssyncset.done $0x0  }
0x17: {  	[sflag:s3] =	ssyncadd.s32 $0xFFFFFE00  }
0x18: {  	[tilespmem:s6], [sflag:$0x1] =	stream.indirect.gather [hbm4b:s5+s6], $0x10, s2, s6, $0xb8;
	[tilespmem:$0x2200] =	vst v63  }
0x19: {  	_ =	swait.ge [sflag:s7], $0x2000  }
.Ltmp1:
0x1a: {  	[sflag:s7] =	ssyncset.done $0x0;
	(pc) =	sbr.rel @p0 .LBB2_1-.Ltmp1, $4  }
0x1b: {  	[sflag:s7] =	ssyncadd.s32 $0xFFFFE000  }
0x1c: {  	[hbm4b:s8+s2] =	stream.linear.scatter [tilespmem:s6], [sflag:$0x2], $0x2000, $0x38;
	[tilespmem:$0x2200] =	vst v63  }
0x1d: {  	_ =	swait.ge [sflag:s3], $0x2000  }
0x1e: {  	[sflag:s3] =	ssyncset.done $0x0  }
.LBB2_2:
0x1f: {  	[sflag:s3] =	ssyncadd.s32 $0xFFFFE000  }
0x20: {  	_ =	sfence.sel $0x180000  }
0x21: {  	[bflag:$0x0] =	sbarrier.arrive $0xFFFF  }
0x22: {  	p0 =	sne.s32 s0, $0x0;
	_ =	strace $0x90000047  }
0x23: {  	s0 =	sadd.s32 @!p0 $0x100000, s1;
	[bflag:$0x2] =	sbarrier.arrive $0xFFFF  }
0x24: {  	[sflag:s0] =	ssyncadd.tile.s32 @!p0 $0x1;
	_ =	shalt  }
.Lfunc_end2:
_tile_overlayer_lowered:
.L_overlay_start_2:
0x25: {  	(tag) =	ssettag $0x2  }
0x26: {  	s0 =	rddreg [dreg:$0x0];
	s2 =	stileid.u32  }
0x27: {  	s1 =	rddreg [dreg:$0x1];
	p0 =	sne.s32 s2, $0x0  }
0x28: {  	s3 =	rddreg [dreg:$0x2];
	[bflag:$0x3] =	sbarrier.arrive $0xFFFF;
	s2 =	simm.s32 @!p0 $0x1C02  }
0x29: {  	[timem:s3], [sflag:s2] =	dma.local @!p0 [hbm:s0], s1  }
0x2a: {  	s0 =	simm.s32 @!p0 $0x2  }
0x2b: {  	_ =	swait.ge @!p0 [sflag:s0], s1  }
0x2c: {  	s1 =	ssub.s32 @!p0 $0x0, s1;
	[sflag:s0] =	ssyncset.done @!p0 $0x0  }
0x2d: {  	[sflag:s0] =	ssyncadd.s32 @!p0 s1  }
0x2e: {  	[bflag:$0x3] =	sbarrier.arrive $0xFFFF  }
0x2f: {  	_ =	shalt  }

// kernel: kernel.14.cloned.1.call-start
scs
__scs_entry_jumppad:
0x0: {  	(pc) =	sbr.rel $0x88, $3  }
0x1: {  	(tag) =	ssettag $0x0;
	lr =	simm.s32 $0x1  }
0x2: {  	[smem:$0x3F90] =	sst lr;
	_ =	strace $0xD0000000  }
0x3: {  	_ = 	snop  }
0x4: {  	_ = 	snop  }
0x5: {  	_ = 	snop  }
0x6: {  	_ = 	snop  }
0x7: {  	_ = 	snop  }
__scs_overlays_trampoline_lowered:
0x8: {  	[smem:$0x3F9F] =	sst s0  }
0x9: {  	[smem:$0x3FA0] =	sst s1  }
0xa: {  	[smem:$0x3FA1] =	sst s2  }
0xb: {  	[smem:$0x3FA2] =	sst s3  }
0xc: {  	[smem:$0x3FA3] =	sst s4  }
0xd: {  	[smem:$0x3FA4] =	sst s5  }
0xe: {  	[smem:$0x3FA5] =	sst s6  }
0xf: {  	[smem:$0x3FA6] =	sst s7  }
0x10: {  	[smem:$0x3FA7] =	sst s8  }
0x11: {  	[smem:$0x3FA8] =	sst s9;
	s0 =	simm.s32 @!p0 $0x0  }
0x12: {  	s1 =	sld [smem:$0x3F8E];
	s0 =	simm.s32 @p0 $0x1  }
0x13: {  	[smem:$0x3FA9] =	sst s0;
	s0 =	simm.s32 @!p1 $0x0  }
0x14: {  	s2 =	sld [smem:$0x3F8D];
	s0 =	simm.s32 @p1 $0x1  }
0x15: {  	[smem:$0x3FAA] =	sst s0;
	s0 =	simm.s32 @!p2 $0x0  }
0x16: {  	s3 =	sld [smem:$0x3FDB];
	s0 =	simm.s32 @p2 $0x1  }
0x17: {  	s4 =	simm.s32 $0x1BF5;
	[smem:$0x3FAC] =	sst s0  }
0x18: {  	s0 =	sld [smem:$0x3F8F];
	_ =	swait.ge [sflag:s4], $0x0  }
0x19: {  	s7 =	sld [smem:$0x3F90]  }
0x1a: {  	s8 =	sadd.s32 $0xFFFFE003, lr  }
0x1b: {  	s9 =	sadd.s32 $0xFFFFFEF7, lr;
	s5 =	simm.s32 $0xFFFFFFFF;
	p2 =	slt.u32 s8, $0xFFFFF086  }
0x1c: {  	p1 =	slt.u32 s9, $0xF7A;
	s5 =	simm.s32 @!p2 $0x0  }
0x1d: {  	s5 =	simm.s32 @p1 $0x1;
	p0 =	seq.s32 s7, s2  }
0x1e: {  	s7 =	smul.u32 @!p0 $0xF7A, s2;
	p2 =	seq.s32 @!p0 s5, $0x0  }
0x1f: {  	s9 =	smul.u32 $0xF7A, s1;
	s8 =	simm.s32 @!p0 $0x1BF5;
	p2 =	por !p2, p0  }
0x20: {  	[sflag:s8] =	ssyncset.s32 @!p0 $0xFFFFF086;
	s6 =	sadd.s32 @!p0 s3, s7;
	s7 =	simm.s32 @!p0 $0x108  }
0x21: {  	s3 =	sadd.s32 s3, s9;
	s6 =	sadd.s32 @!p0 $0x88, s6;
	s7 =	simm.s32 @p2 $0x1082  }
0x22: {  	[simem:s7], [sflag:s8] =	dma.local @!p0 [hbm:s6], $0xF7A  }
0x23: {  	s9 =	sor.u32 $0xD0000000, s2;
	s6 =	simm.s32 $0x108;
	_ =	swait.ge @!p0 [sflag:s8], $0x0  }
0x24: {  	s3 =	sadd.s32 $0x88, s3;
	s6 =	simm.s32 @!p1 $0x1082;
	[sflag:s4] =	ssyncset.s32 $0xFFFFF086  }
0x25: {  	[simem:s6], [sflag:s4] =	dma.local [hbm:s3], $0xF7A  }
0x26: {  	[smem:$0x3F90] =	sst s1;
	(tag) =	ssettag s2;
	_ =	strace s9  }
0x27: {  	s1 =	sld [smem:$0x3FA0]  }
0x28: {  	s2 =	sld [smem:$0x3FA1]  }
0x29: {  	s4 =	sld [smem:$0x3FA3]  }
0x2a: {  	p0 =	seq.s32 s5, $0x0;
	s5 =	sld [smem:$0x3FA4]  }
0x2b: {  	s6 =	sld [smem:$0x3FA5]  }
0x2c: {  	s7 =	sld [smem:$0x3FA6]  }
0x2d: {  	s3 =	simm.s32 $0x108;
	s8 =	sld [smem:$0x3FA7]  }
0x2e: {  	s3 =	simm.s32 @!p0 $0x1082;
	s9 =	sld [smem:$0x3FA8]  }
0x2f: {  	lr =	sadd.s32 s0, s3;
	s0 =	sld [smem:$0x3F9F]  }
0x30: {  	s3 =	sld [smem:$0x3FA2]  }
0x31: {  	[smem:$0x3FAB] =	sst s10  }
0x32: {  	s10 =	sld [smem:$0x3FA9];
	_ =	sdelay $0x3  }
0x33: {  	p0 =	seq.s32 s10, $0x1;
	s10 =	sld [smem:$0x3FAB];
	_ =	sdelay $0x3  }
0x34: {  	[smem:$0x3FAB] =	sst s10  }
0x35: {  	s10 =	sld [smem:$0x3FAA];
	_ =	sdelay $0x3  }
0x36: {  	p1 =	seq.s32 s10, $0x1;
	s10 =	sld [smem:$0x3FAB];
	_ =	sdelay $0x3  }
0x37: {  	[smem:$0x3FAB] =	sst s10  }
0x38: {  	s10 =	sld [smem:$0x3FAC]  }
0x39: {  	_ = 	snop;
	(pc) =	sbr.ind lr, $3  }
0x3a: {  	_ = 	snop  }
0x3b: {  	_ = 	snop  }
0x3c: {  	p2 =	seq.s32 s10, $0x1;
	s10 =	sld [smem:$0x3FAB]  }
0x3d: {  	_ =	shalt  }
0x3e: {  	_ =	shalt  }
0x3f: {  	_ =	shalt  }
0x40: {  	_ =	shalt  }
0x41: {  	_ =	shalt  }
0x42: {  	_ =	shalt  }
0x43: {  	_ =	shalt  }
0x44: {  	_ =	shalt  }
0x45: {  	_ =	shalt  }
0x46: {  	_ =	shalt  }
0x47: {  	_ =	shalt  }
0x48: {  	_ =	shalt  }
0x49: {  	_ =	shalt  }
0x4a: {  	_ =	shalt  }
0x4b: {  	_ =	shalt  }
0x4c: {  	_ =	shalt  }
0x4d: {  	_ =	shalt  }
0x4e: {  	_ =	shalt  }
0x4f: {  	_ =	shalt  }
0x50: {  	_ =	shalt  }
0x51: {  	_ =	shalt  }
0x52: {  	_ =	shalt  }
0x53: {  	_ =	shalt  }
0x54: {  	_ =	shalt  }
0x55: {  	_ =	shalt  }
0x56: {  	_ =	shalt  }
0x57: {  	_ =	shalt  }
0x58: {  	_ =	shalt  }
0x59: {  	_ =	shalt  }
0x5a: {  	_ =	shalt  }
0x5b: {  	_ =	shalt  }
0x5c: {  	_ =	shalt  }
0x5d: {  	_ =	shalt  }
0x5e: {  	_ =	shalt  }
0x5f: {  	_ =	shalt  }
0x60: {  	_ =	shalt  }
0x61: {  	_ =	shalt  }
0x62: {  	_ =	shalt  }
0x63: {  	_ =	shalt  }
0x64: {  	_ =	shalt  }
0x65: {  	_ =	shalt  }
0x66: {  	_ =	shalt  }
0x67: {  	_ =	shalt  }
0x68: {  	_ =	shalt  }
0x69: {  	_ =	shalt  }
0x6a: {  	_ =	shalt  }
0x6b: {  	_ =	shalt  }
0x6c: {  	_ =	shalt  }
0x6d: {  	_ =	shalt  }
0x6e: {  	_ =	shalt  }
0x6f: {  	_ =	shalt  }
0x70: {  	_ =	shalt  }
0x71: {  	_ =	shalt  }
0x72: {  	_ =	shalt  }
0x73: {  	_ =	shalt  }
0x74: {  	_ =	shalt  }
0x75: {  	_ =	shalt  }
0x76: {  	_ =	shalt  }
0x77: {  	_ =	shalt  }
0x78: {  	_ =	shalt  }
0x79: {  	_ =	shalt  }
0x7a: {  	_ =	shalt  }
0x7b: {  	_ =	shalt  }
0x7c: {  	_ =	shalt  }
0x7d: {  	_ =	shalt  }
0x7e: {  	_ =	shalt  }
0x7f: {  	_ =	shalt  }
0x80: {  	_ =	shalt  }
0x81: {  	_ =	shalt  }
0x82: {  	_ =	shalt  }
0x83: {  	_ =	shalt  }
0x84: {  	_ =	shalt  }
0x85: {  	_ =	shalt  }
0x86: {  	_ =	shalt  }
0x87: {  	_ =	shalt  }
.Lfunc_end0:
.L_simem_size_0:
called_computation.2_lowered:
.L_overlay_start_0:
0x88: {  	s2 =	sld [smem:$0x3FD9]  }
0x89: {  	s3 =	sld [smem:$0x3FFE];
	_ =	sdelay $0x1  }
0x8a: {  	s1 =	srdreg.scid  }
0x8b: {  	s0 =	sand.u32 $0x1, s1  }
0x8c: {  	s17 =	sshll.u32 s0, $0xA;
	s2 =	sadd.s32 s3, s2  }
0x8d: {  	s2 =	sadd.s32 s2, s17  }
0x8e: {  	[smem:$0x3FB7] =	sst s2  }
0x8f: {  	_ = 	snop  }
0x90: {  	(tm) =	ssettm $0x1  }
0x91: {  	s18 =	sld [smem:$0x3FFB];
	_ =	sdelay $0x3  }
0x92: {  	_ =	strace s18  }
0x93: {  	s2 =	sld [smem:$0x3FFC];
	_ =	sdelay $0x3  }
0x94: {  	_ =	strace s2  }
0x95: {  	s2 =	sld [smem:$0x3FFD];
	_ =	sdelay $0x3  }
0x96: {  	_ =	strace s2  }
0x97: {  	_ =	strace $0x8FFFFFFF  }
0x98: {  	s19 =	sld [smem:$0x3FDB];
	_ =	sdelay $0x1  }
0x99: {  	s20 =	simm.s32 $_scs_section_size  }
0x9a: {  	s4 =	simm.s32 $_size__tile_overlayer_lowered;
	s5 =	simm.s32 $_tile_overlayer_lowered  }
0x9b: {  	s6 =	simm.s32 $0x1BFF;
	s21 =	sshll.u32 s5, $0x1;
	s3 =	sadd.s32 s20, s19  }
0x9c: {  	s22 =	simm.s32 $0x0;
	s4 =	sshll.u32 s4, $0x1;
	s5 =	sadd.s32 s21, s3  }
0x9d: {  	[timem:s22], [sflag:s6] =	dma.local [hbm:s5], s4  }
0x9e: {  	_ =	swait.ge [sflag:s6], s4  }
0x9f: {  	s4 =	ssub.s32 $0x0, s4;
	[sflag:s6] =	ssyncset.done $0x0  }
0xa0: {  	[sflag:s6] =	ssyncadd.s32 s4;
	_ =	sdelay $0x1  }
0xa1: {  	s23 =	simm.s32 $0x1B8B  }
0xa2: {  	_ =	swait.ge [sflag:s23], $0x1  }
0xa3: {  	[sflag:s23] =	ssyncset.done $0x0  }
0xa4: {  	[sflag:s23] =	ssyncadd.s32 $0xFFFFFFFF  }
0xa5: {  	s4 =	sld [smem:$0x0]  }
0xa6: {  	s5 =	sand.u32 $0xFFFFFFFE, s1  }
0xa7: {  	p0 =	sne.s32 s1, s5  }
0xa8: {  	s5 =	sshll.u32 @p0 s5, $0xE  }
0xa9: {  	s5 =	sadd.s32 @p0 $0x11B8D, s5;
	s6 =	sshll.u32 @p0 s4, $0x11  }
0xaa: {  	s5 =	sor.u32 @p0 s6, s5  }
0xab: {  	[sflag:s5] =	ssyncadd.remote.s32 @p0 $0x1;
	_ =	sdelay $0x1  }
0xac: {  	s5 =	simm.s32 @p0 $0x1B8D  }
0xad: {  	_ =	swait.eq @p0 [sflag:s5], $0x1  }
0xae: {  	[sflag:s5] =	ssyncadd.s32 @p0 $0xFFFFFFFF  }
0xaf: {  	s6 =	sshll.u32 @!p0 s1, $0xE  }
0xb0: {  	s6 =	sor.u32 @!p0 $0x4000, s6;
	s5 =	simm.s32 @!p0 $0x1B8D  }
0xb1: {  	s4 =	sshll.u32 @!p0 s4, $0x11;
	s6 =	sadd.s32 @!p0 $0x11B8D, s6;
	_ =	swait.eq @!p0 [sflag:s5], $0x1  }
0xb2: {  	s4 =	sor.u32 @!p0 s4, s6;
	[sflag:s5] =	ssyncadd.s32 @!p0 $0xFFFFFFFF  }
0xb3: {  	s25 =	simm.s32 $0x1B8E;
	s24 =	sld [smem:$0x3FFE];
	[sflag:s4] =	ssyncadd.remote.s32 @!p0 $0x1  }
0xb4: {  	s26 =	simm.s32 $execute0_lowered;
	[smem:$0x3FD2] =	sst s25  }
0xb5: {  	s5 =	sshll.u32 s26, $0x1;
	_ =	strace $0x80000049;
	[dreg:$0x1] =	wrdreg $0xFFFFFFFF  }
0xb6: {  	s28 =	simm.s32 $_size_execute0_lowered;
	s3 =	sadd.s32 s3, s5;
	[dreg:$0x0] =	wrdreg $0x0  }
0xb7: {  	s5 =	sshll.u32 s28, $0x1;
	[dreg:$0x2] =	wrdreg s3  }
0xb8: {  	[dreg:$0x3] =	wrdreg s5  }
0xb9: {  	[dreg:$0x4] =	wrdreg $0xC0  }
0xba: {  	_ =	task [dreg:s22], $0x5FFFF  }
0xbb: {  	[dreg:$0x1] =	wrdreg $0xFFFFFFFF  }
0xbc: {  	[dreg:$0x0] =	wrdreg $0x60  }
0xbd: {  	[dreg:$0x2] =	wrdreg s24  }
0xbe: {  	[dreg:$0x3] =	wrdreg $0xB  }
0xbf: {  	_ =	task.clear_ibuf [dreg:s22], $0x4FFFF;
	_ =	strace $0x90000049  }
0xc0: {  	s29 =	simm.s32 $0xB;
	_ =	strace $0x8000004B  }
0xc1: {  	_ =	swait.ge [sflag:s29], $0x1  }
0xc2: {  	[sflag:s29] =	ssyncadd.s32 $0xFFFFFFFF  }
0xc3: {  	_ =	strace $0x9000004B  }
0xc4: {  	_ =	sfence  }
0xc5: {  	s30 =	sld [smem:$0x0];
	_ =	sdelay $0x2  }
0xc6: {  	s31 =	sshll.u32 s1, $0xD;
	s1 =	sshrl.u32 s1, $0x2  }
0xc7: {  	s4 =	sand.u32 $0x4000, s31;
	s1 =	sadd.s32 s1, s30  }
0xc8: {  	s0 =	sor.u32 s4, s0;
	s1 =	sshll.u32 s1, $0x11  }
0xc9: {  	s0 =	sor.u32 s1, s0  }
0xca: {  	s0 =	sadd.s32 $0x8F2B, s0  }
0xcb: {  	[sflag:s0] =	ssyncadd.remote.s32 $0x1  }
0xcc: {  	_ =	sfence.sel $0xFFFF  }
0xcd: {  	[dreg:$0x0] =	wrdreg $0xFFFFFFFF;
	(pc) =	sbr.abs _section_cstart, $3  }
0xce: {  	[dreg:$0x1] =	wrdreg $0xFFFFFFFF  }
0xcf: {  	_ =	task.clear_ibuf [dreg:s22], $0x2FFFF;
	_ =	strace $0x9FFFFFFF  }
0xd0: {  	(tm) =	ssettm $0x7FFFFFFF  }
0xd1: {  	_ =	shalt  }
tec
execute0_lowered:
.L_overlay_start_1:
0x0: {  	(tag) =	ssettag $0x1  }
0x1: {  	s1 =	srdreg.scid  }
0x2: {  	s0 =	stileid.u32;
	s6 =	sand.u32 $0x1, s1  }
0x3: {  	s8 =	rddreg [dreg:$0x0];
	s30 =	sshll.u32 s0, $0xA;
	s2 =	sshll.u32 s6, $0x9  }
0x4: {  	s7 =	simm.s32 $0x1;
	s1 =	rddreg [dreg:$0x1];
	s9 =	sor.u32 s2, s30  }
0x5: {  	s5 =	sadd.s32 $0x20B800, s8;
	s2 =	simm.s32 $0x0;
	s3 =	sshrl.u32 s9, $0x3  }
0x6: {  	s10 =	ssub.s32 $0x2, s6;
	[smem:$0x7FF] =	sst s2;
	s3 =	sadd.s32 s3, s8  }
0x7: {  	_ =	strace $0x8000004A;
	s4 =	sadd.s32 $0x40B800, s3;
	s3 =	simm.s32 $0x2  }
0x8: {  	[tilespmem:s2], [sflag:$0x2] =	stream.linear.gather [hbm4b:s4+s2], $0x200, $0x38;
	[tilespmem:$0x2200] =	vst v63  }
0x9: {  	s6 =	simm.s32 $0x200;
	s11 =	sshrl.u32 s10, $0x1;
	_ =	swait.ge [sflag:s3], $0x200  }
0xa: {  	s9 =	sshll.u32 s9, $0x1;
	s31 =	ssub.s32 s10, s11;
	[sflag:s3] =	ssyncset.done $0x0  }
0xb: {  	s8 =	sadd.s32 s9, s8;
	s9 =	smax.u32 s31, $0x1;
	[sflag:s3] =	ssyncadd.s32 $0xFFFFFE00  }
0xc: {  	[tilespmem:s6], [sflag:$0x1] =	stream.indirect.gather [hbm4b:s5+s6], $0x10, s2, s6, $0xb8;
	[tilespmem:$0x2200] =	vst v63  }
0xd: {  	p0 =	sne.s32 s9, $0x1;
	_ =	swait.ge [sflag:s7], $0x2000  }
.Ltmp0:
0xe: {  	[sflag:s7] =	ssyncset.done $0x0;
	(pc) =	sbr.rel @!p0 .LBB2_2-.Ltmp0, $4  }
0xf: {  	s8 =	sadd.s32 $0x40C000, s8;
	[sflag:s7] =	ssyncadd.s32 $0xFFFFE000  }
0x10: {  	[hbm4b:s8+s2] =	stream.linear.scatter [tilespmem:s6], [sflag:$0x2], $0x2000, $0x38;
	[tilespmem:$0x2200] =	vst v63  }
0x11: {  	_ =	swait.ge [sflag:s3], $0x2000  }
0x12: {  	s9 =	sadd.s32 $0xFFFFFFFF, s9;
	[sflag:s3] =	ssyncset.done $0x0  }
.LBB2_1:
0x13: {  	p0 =	sne.s32 s9, $0x1;
	s9 =	sadd.s32 $0xFFFFFFFF, s9;
	[sflag:s3] =	ssyncadd.s32 $0xFFFFE000  }
0x14: {  	[tilespmem:s2], [sflag:$0x2] =	stream.linear.gather [hbm4b:s4+s2], $0x200, $0x38;
	[tilespmem:$0x2200] =	vst v63  }
0x15: {  	_ =	swait.ge [sflag:s3], $0x200  }
0x16: {  	[sflag:s3] =	ssyncset.done $0x0  }
0x17: {  	[sflag:s3] =	ssyncadd.s32 $0xFFFFFE00  }
0x18: {  	[tilespmem:s6], [sflag:$0x1] =	stream.indirect.gather [hbm4b:s5+s6], $0x10, s2, s6, $0xb8;
	[tilespmem:$0x2200] =	vst v63  }
0x19: {  	_ =	swait.ge [sflag:s7], $0x2000  }
.Ltmp1:
0x1a: {  	[sflag:s7] =	ssyncset.done $0x0;
	(pc) =	sbr.rel @p0 .LBB2_1-.Ltmp1, $4  }
0x1b: {  	[sflag:s7] =	ssyncadd.s32 $0xFFFFE000  }
0x1c: {  	[hbm4b:s8+s2] =	stream.linear.scatter [tilespmem:s6], [sflag:$0x2], $0x2000, $0x38;
	[tilespmem:$0x2200] =	vst v63  }
0x1d: {  	_ =	swait.ge [sflag:s3], $0x2000  }
0x1e: {  	[sflag:s3] =	ssyncset.done $0x0  }
.LBB2_2:
0x1f: {  	[sflag:s3] =	ssyncadd.s32 $0xFFFFE000  }
0x20: {  	_ =	sfence.sel $0x180000  }
0x21: {  	[bflag:$0x0] =	sbarrier.arrive $0xFFFF  }
0x22: {  	p0 =	sne.s32 s0, $0x0;
	_ =	strace $0x9000004A  }
0x23: {  	s0 =	sadd.s32 @!p0 $0x100000, s1;
	[bflag:$0x2] =	sbarrier.arrive $0xFFFF  }
0x24: {  	[sflag:s0] =	ssyncadd.tile.s32 @!p0 $0x1;
	_ =	shalt  }
.Lfunc_end2:
_tile_overlayer_lowered:
.L_overlay_start_2:
0x25: {  	(tag) =	ssettag $0x2  }
0x26: {  	s0 =	rddreg [dreg:$0x0];
	s2 =	stileid.u32  }
0x27: {  	s1 =	rddreg [dreg:$0x1];
	p0 =	sne.s32 s2, $0x0  }
0x28: {  	s3 =	rddreg [dreg:$0x2];
	[bflag:$0x3] =	sbarrier.arrive $0xFFFF;
	s2 =	simm.s32 @!p0 $0x1C02  }
0x29: {  	[timem:s3], [sflag:s2] =	dma.local @!p0 [hbm:s0], s1  }
0x2a: {  	s0 =	simm.s32 @!p0 $0x2  }
0x2b: {  	_ =	swait.ge @!p0 [sflag:s0], s1  }
0x2c: {  	s1 =	ssub.s32 @!p0 $0x0, s1;
	[sflag:s0] =	ssyncset.done @!p0 $0x0  }
0x2d: {  	[sflag:s0] =	ssyncadd.s32 @!p0 s1  }
0x2e: {  	[bflag:$0x3] =	sbarrier.arrive $0xFFFF  }
0x2f: {  	_ =	shalt  }

// kernel: kernel.8.cloned.1.call-start
scs
__scs_entry_jumppad:
0x0: {  	(pc) =	sbr.rel $0x88, $3  }
0x1: {  	(tag) =	ssettag $0x0;
	lr =	simm.s32 $0x1  }
0x2: {  	[smem:$0x3F90] =	sst lr;
	_ =	strace $0xD0000000  }
0x3: {  	_ = 	snop  }
0x4: {  	_ = 	snop  }
0x5: {  	_ = 	snop  }
0x6: {  	_ = 	snop  }
0x7: {  	_ = 	snop  }
__scs_overlays_trampoline_lowered:
0x8: {  	[smem:$0x3F9F] =	sst s0  }
0x9: {  	[smem:$0x3FA0] =	sst s1  }
0xa: {  	[smem:$0x3FA1] =	sst s2  }
0xb: {  	[smem:$0x3FA2] =	sst s3  }
0xc: {  	[smem:$0x3FA3] =	sst s4  }
0xd: {  	[smem:$0x3FA4] =	sst s5  }
0xe: {  	[smem:$0x3FA5] =	sst s6  }
0xf: {  	[smem:$0x3FA6] =	sst s7  }
0x10: {  	[smem:$0x3FA7] =	sst s8  }
0x11: {  	[smem:$0x3FA8] =	sst s9;
	s0 =	simm.s32 @!p0 $0x0  }
0x12: {  	s1 =	sld [smem:$0x3F8E];
	s0 =	simm.s32 @p0 $0x1  }
0x13: {  	[smem:$0x3FA9] =	sst s0;
	s0 =	simm.s32 @!p1 $0x0  }
0x14: {  	s2 =	sld [smem:$0x3F8D];
	s0 =	simm.s32 @p1 $0x1  }
0x15: {  	[smem:$0x3FAA] =	sst s0;
	s0 =	simm.s32 @!p2 $0x0  }
0x16: {  	s3 =	sld [smem:$0x3FDB];
	s0 =	simm.s32 @p2 $0x1  }
0x17: {  	s4 =	simm.s32 $0x1BF5;
	[smem:$0x3FAC] =	sst s0  }
0x18: {  	s0 =	sld [smem:$0x3F8F];
	_ =	swait.ge [sflag:s4], $0x0  }
0x19: {  	s7 =	sld [smem:$0x3F90]  }
0x1a: {  	s8 =	sadd.s32 $0xFFFFE003, lr  }
0x1b: {  	s9 =	sadd.s32 $0xFFFFFEF7, lr;
	s5 =	simm.s32 $0xFFFFFFFF;
	p2 =	slt.u32 s8, $0xFFFFF086  }
0x1c: {  	p1 =	slt.u32 s9, $0xF7A;
	s5 =	simm.s32 @!p2 $0x0  }
0x1d: {  	s5 =	simm.s32 @p1 $0x1;
	p0 =	seq.s32 s7, s2  }
0x1e: {  	s7 =	smul.u32 @!p0 $0xF7A, s2;
	p2 =	seq.s32 @!p0 s5, $0x0  }
0x1f: {  	s9 =	smul.u32 $0xF7A, s1;
	s8 =	simm.s32 @!p0 $0x1BF5;
	p2 =	por !p2, p0  }
0x20: {  	[sflag:s8] =	ssyncset.s32 @!p0 $0xFFFFF086;
	s6 =	sadd.s32 @!p0 s3, s7;
	s7 =	simm.s32 @!p0 $0x108  }
0x21: {  	s3 =	sadd.s32 s3, s9;
	s6 =	sadd.s32 @!p0 $0x88, s6;
	s7 =	simm.s32 @p2 $0x1082  }
0x22: {  	[simem:s7], [sflag:s8] =	dma.local @!p0 [hbm:s6], $0xF7A  }
0x23: {  	s9 =	sor.u32 $0xD0000000, s2;
	s6 =	simm.s32 $0x108;
	_ =	swait.ge @!p0 [sflag:s8], $0x0  }
0x24: {  	s3 =	sadd.s32 $0x88, s3;
	s6 =	simm.s32 @!p1 $0x1082;
	[sflag:s4] =	ssyncset.s32 $0xFFFFF086  }
0x25: {  	[simem:s6], [sflag:s4] =	dma.local [hbm:s3], $0xF7A  }
0x26: {  	[smem:$0x3F90] =	sst s1;
	(tag) =	ssettag s2;
	_ =	strace s9  }
0x27: {  	s1 =	sld [smem:$0x3FA0]  }
0x28: {  	s2 =	sld [smem:$0x3FA1]  }
0x29: {  	s4 =	sld [smem:$0x3FA3]  }
0x2a: {  	p0 =	seq.s32 s5, $0x0;
	s5 =	sld [smem:$0x3FA4]  }
0x2b: {  	s6 =	sld [smem:$0x3FA5]  }
0x2c: {  	s7 =	sld [smem:$0x3FA6]  }
0x2d: {  	s3 =	simm.s32 $0x108;
	s8 =	sld [smem:$0x3FA7]  }
0x2e: {  	s3 =	simm.s32 @!p0 $0x1082;
	s9 =	sld [smem:$0x3FA8]  }
0x2f: {  	lr =	sadd.s32 s0, s3;
	s0 =	sld [smem:$0x3F9F]  }
0x30: {  	s3 =	sld [smem:$0x3FA2]  }
0x31: {  	[smem:$0x3FAB] =	sst s10  }
0x32: {  	s10 =	sld [smem:$0x3FA9];
	_ =	sdelay $0x3  }
0x33: {  	p0 =	seq.s32 s10, $0x1;
	s10 =	sld [smem:$0x3FAB];
	_ =	sdelay $0x3  }
0x34: {  	[smem:$0x3FAB] =	sst s10  }
0x35: {  	s10 =	sld [smem:$0x3FAA];
	_ =	sdelay $0x3  }
0x36: {  	p1 =	seq.s32 s10, $0x1;
	s10 =	sld [smem:$0x3FAB];
	_ =	sdelay $0x3  }
0x37: {  	[smem:$0x3FAB] =	sst s10  }
0x38: {  	s10 =	sld [smem:$0x3FAC]  }
0x39: {  	_ = 	snop;
	(pc) =	sbr.ind lr, $3  }
0x3a: {  	_ = 	snop  }
0x3b: {  	_ = 	snop  }
0x3c: {  	p2 =	seq.s32 s10, $0x1;
	s10 =	sld [smem:$0x3FAB]  }
0x3d: {  	_ =	shalt  }
0x3e: {  	_ =	shalt  }
0x3f: {  	_ =	shalt  }
0x40: {  	_ =	shalt  }
0x41: {  	_ =	shalt  }
0x42: {  	_ =	shalt  }
0x43: {  	_ =	shalt  }
0x44: {  	_ =	shalt  }
0x45: {  	_ =	shalt  }
0x46: {  	_ =	shalt  }
0x47: {  	_ =	shalt  }
0x48: {  	_ =	shalt  }
0x49: {  	_ =	shalt  }
0x4a: {  	_ =	shalt  }
0x4b: {  	_ =	shalt  }
0x4c: {  	_ =	shalt  }
0x4d: {  	_ =	shalt  }
0x4e: {  	_ =	shalt  }
0x4f: {  	_ =	shalt  }
0x50: {  	_ =	shalt  }
0x51: {  	_ =	shalt  }
0x52: {  	_ =	shalt  }
0x53: {  	_ =	shalt  }
0x54: {  	_ =	shalt  }
0x55: {  	_ =	shalt  }
0x56: {  	_ =	shalt  }
0x57: {  	_ =	shalt  }
0x58: {  	_ =	shalt  }
0x59: {  	_ =	shalt  }
0x5a: {  	_ =	shalt  }
0x5b: {  	_ =	shalt  }
0x5c: {  	_ =	shalt  }
0x5d: {  	_ =	shalt  }
0x5e: {  	_ =	shalt  }
0x5f: {  	_ =	shalt  }
0x60: {  	_ =	shalt  }
0x61: {  	_ =	shalt  }
0x62: {  	_ =	shalt  }
0x63: {  	_ =	shalt  }
0x64: {  	_ =	shalt  }
0x65: {  	_ =	shalt  }
0x66: {  	_ =	shalt  }
0x67: {  	_ =	shalt  }
0x68: {  	_ =	shalt  }
0x69: {  	_ =	shalt  }
0x6a: {  	_ =	shalt  }
0x6b: {  	_ =	shalt  }
0x6c: {  	_ =	shalt  }
0x6d: {  	_ =	shalt  }
0x6e: {  	_ =	shalt  }
0x6f: {  	_ =	shalt  }
0x70: {  	_ =	shalt  }
0x71: {  	_ =	shalt  }
0x72: {  	_ =	shalt  }
0x73: {  	_ =	shalt  }
0x74: {  	_ =	shalt  }
0x75: {  	_ =	shalt  }
0x76: {  	_ =	shalt  }
0x77: {  	_ =	shalt  }
0x78: {  	_ =	shalt  }
0x79: {  	_ =	shalt  }
0x7a: {  	_ =	shalt  }
0x7b: {  	_ =	shalt  }
0x7c: {  	_ =	shalt  }
0x7d: {  	_ =	shalt  }
0x7e: {  	_ =	shalt  }
0x7f: {  	_ =	shalt  }
0x80: {  	_ =	shalt  }
0x81: {  	_ =	shalt  }
0x82: {  	_ =	shalt  }
0x83: {  	_ =	shalt  }
0x84: {  	_ =	shalt  }
0x85: {  	_ =	shalt  }
0x86: {  	_ =	shalt  }
0x87: {  	_ =	shalt  }
.Lfunc_end0:
.L_simem_size_0:
called_computation_lowered:
.L_overlay_start_0:
0x88: {  	s2 =	sld [smem:$0x3FD9]  }
0x89: {  	s3 =	sld [smem:$0x3FFE];
	_ =	sdelay $0x1  }
0x8a: {  	s1 =	srdreg.scid  }
0x8b: {  	s0 =	sand.u32 $0x1, s1  }
0x8c: {  	s17 =	sshll.u32 s0, $0xA;
	s2 =	sadd.s32 s3, s2  }
0x8d: {  	s2 =	sadd.s32 s2, s17  }
0x8e: {  	[smem:$0x3FB7] =	sst s2  }
0x8f: {  	_ = 	snop  }
0x90: {  	(tm) =	ssettm $0x1  }
0x91: {  	s18 =	sld [smem:$0x3FFB];
	_ =	sdelay $0x3  }
0x92: {  	_ =	strace s18  }
0x93: {  	s2 =	sld [smem:$0x3FFC];
	_ =	sdelay $0x3  }
0x94: {  	_ =	strace s2  }
0x95: {  	s2 =	sld [smem:$0x3FFD];
	_ =	sdelay $0x3  }
0x96: {  	_ =	strace s2  }
0x97: {  	_ =	strace $0x8FFFFFFF  }
0x98: {  	s19 =	sld [smem:$0x3FDB];
	_ =	sdelay $0x1  }
0x99: {  	s20 =	simm.s32 $_scs_section_size  }
0x9a: {  	s4 =	simm.s32 $_size__tile_overlayer_lowered;
	s5 =	simm.s32 $_tile_overlayer_lowered  }
0x9b: {  	s6 =	simm.s32 $0x1BFF;
	s21 =	sshll.u32 s5, $0x1;
	s3 =	sadd.s32 s20, s19  }
0x9c: {  	s22 =	simm.s32 $0x0;
	s4 =	sshll.u32 s4, $0x1;
	s5 =	sadd.s32 s21, s3  }
0x9d: {  	[timem:s22], [sflag:s6] =	dma.local [hbm:s5], s4  }
0x9e: {  	_ =	swait.ge [sflag:s6], s4  }
0x9f: {  	s4 =	ssub.s32 $0x0, s4;
	[sflag:s6] =	ssyncset.done $0x0  }
0xa0: {  	[sflag:s6] =	ssyncadd.s32 s4;
	_ =	sdelay $0x1  }
0xa1: {  	s23 =	simm.s32 $0x1B8B  }
0xa2: {  	_ =	swait.ge [sflag:s23], $0x1  }
0xa3: {  	[sflag:s23] =	ssyncset.done $0x0  }
0xa4: {  	[sflag:s23] =	ssyncadd.s32 $0xFFFFFFFF  }
0xa5: {  	s4 =	sld [smem:$0x0]  }
0xa6: {  	s5 =	sand.u32 $0xFFFFFFFE, s1  }
0xa7: {  	p0 =	sne.s32 s1, s5  }
0xa8: {  	s5 =	sshll.u32 @p0 s5, $0xE  }
0xa9: {  	s5 =	sadd.s32 @p0 $0x11B8D, s5;
	s6 =	sshll.u32 @p0 s4, $0x11  }
0xaa: {  	s5 =	sor.u32 @p0 s6, s5  }
0xab: {  	[sflag:s5] =	ssyncadd.remote.s32 @p0 $0x1;
	_ =	sdelay $0x1  }
0xac: {  	s5 =	simm.s32 @p0 $0x1B8D  }
0xad: {  	_ =	swait.eq @p0 [sflag:s5], $0x1  }
0xae: {  	[sflag:s5] =	ssyncadd.s32 @p0 $0xFFFFFFFF  }
0xaf: {  	s6 =	sshll.u32 @!p0 s1, $0xE  }
0xb0: {  	s6 =	sor.u32 @!p0 $0x4000, s6;
	s5 =	simm.s32 @!p0 $0x1B8D  }
0xb1: {  	s4 =	sshll.u32 @!p0 s4, $0x11;
	s6 =	sadd.s32 @!p0 $0x11B8D, s6;
	_ =	swait.eq @!p0 [sflag:s5], $0x1  }
0xb2: {  	s4 =	sor.u32 @!p0 s4, s6;
	[sflag:s5] =	ssyncadd.s32 @!p0 $0xFFFFFFFF  }
0xb3: {  	s25 =	simm.s32 $0x1B8E;
	s24 =	sld [smem:$0x3FFE];
	[sflag:s4] =	ssyncadd.remote.s32 @!p0 $0x1  }
0xb4: {  	s26 =	simm.s32 $execute0_lowered;
	[smem:$0x3FD2] =	sst s25  }
0xb5: {  	s5 =	sshll.u32 s26, $0x1;
	_ =	strace $0x8000004C;
	[dreg:$0x1] =	wrdreg $0xFFFFFFFF  }
0xb6: {  	s28 =	simm.s32 $_size_execute0_lowered;
	s3 =	sadd.s32 s3, s5;
	[dreg:$0x0] =	wrdreg $0x0  }
0xb7: {  	s5 =	sshll.u32 s28, $0x1;
	[dreg:$0x2] =	wrdreg s3  }
0xb8: {  	[dreg:$0x3] =	wrdreg s5  }
0xb9: {  	[dreg:$0x4] =	wrdreg $0xC0  }
0xba: {  	_ =	task [dreg:s22], $0x5FFFF  }
0xbb: {  	[dreg:$0x1] =	wrdreg $0xFFFFFFFF  }
0xbc: {  	[dreg:$0x0] =	wrdreg $0x60  }
0xbd: {  	[dreg:$0x2] =	wrdreg s24  }
0xbe: {  	[dreg:$0x3] =	wrdreg $0x9  }
0xbf: {  	_ =	task.clear_ibuf [dreg:s22], $0x4FFFF;
	_ =	strace $0x9000004C  }
0xc0: {  	s29 =	simm.s32 $0x9;
	_ =	strace $0x8000004E  }
0xc1: {  	_ =	swait.ge [sflag:s29], $0x1  }
0xc2: {  	[sflag:s29] =	ssyncadd.s32 $0xFFFFFFFF  }
0xc3: {  	_ =	strace $0x9000004E  }
0xc4: {  	_ =	sfence  }
0xc5: {  	s30 =	sld [smem:$0x0];
	_ =	sdelay $0x2  }
0xc6: {  	s31 =	sshll.u32 s1, $0xD;
	s1 =	sshrl.u32 s1, $0x2  }
0xc7: {  	s4 =	sand.u32 $0x4000, s31;
	s1 =	sadd.s32 s1, s30  }
0xc8: {  	s0 =	sor.u32 s4, s0;
	s1 =	sshll.u32 s1, $0x11  }
0xc9: {  	s0 =	sor.u32 s1, s0  }
0xca: {  	s0 =	sadd.s32 $0x8F2B, s0  }
0xcb: {  	[sflag:s0] =	ssyncadd.remote.s32 $0x1  }
0xcc: {  	_ =	sfence.sel $0xFFFF  }
0xcd: {  	[dreg:$0x0] =	wrdreg $0xFFFFFFFF;
	(pc) =	sbr.abs _section_cstart, $3  }
0xce: {  	[dreg:$0x1] =	wrdreg $0xFFFFFFFF  }
0xcf: {  	_ =	task.clear_ibuf [dreg:s22], $0x2FFFF;
	_ =	strace $0x9FFFFFFF  }
0xd0: {  	(tm) =	ssettm $0x7FFFFFFF  }
0xd1: {  	_ =	shalt  }
tec
execute0_lowered:
.L_overlay_start_1:
0x0: {  	(tag) =	ssettag $0x1  }
0x1: {  	s1 =	srdreg.scid  }
0x2: {  	s0 =	stileid.u32;
	s19 =	sand.u32 $0x1, s1  }
0x3: {  	s31 =	sshll.u32 s0, $0xA;
	s2 =	sshll.u32 s19, $0x9  }
0x4: {  	s18 =	rddreg [dreg:$0x0];
	s20 =	sor.u32 s2, s31  }
0x5: {  	s1 =	rddreg [dreg:$0x1];
	s2 =	simm.s32 $0x0;
	s3 =	sshrl.u32 s20, $0x3  }
0x6: {  	[smem:$0x7FF] =	sst s2;
	s7 =	sadd.s32 s3, s18  }
0x7: {  	_ =	strace $0x8000004D;
	s3 =	simm.s32 $0x4;
	s4 =	sadd.s32 $0x426000, s7  }
0x8: {  	[tilespmem:s2], [sflag:$0x4] =	stream.linear.gather [hbm4b:s4+s2], $0x200, $0x38;
	[tilespmem:$0x6600] =	vst v63  }
0x9: {  	_ =	swait.ge [sflag:s3], $0x200  }
0xa: {  	[sflag:s3] =	ssyncset.done $0x0  }
0xb: {  	s6 =	simm.s32 $0x200;
	s5 =	sadd.s32 $0x426800, s7;
	[sflag:s3] =	ssyncadd.s32 $0xFFFFFE00  }
0xc: {  	[tilespmem:s6], [sflag:$0x4] =	stream.linear.gather [hbm4b:s5+s2], $0x200, $0x38;
	[tilespmem:$0x6600] =	vst v63  }
0xd: {  	_ =	swait.ge [sflag:s3], $0x200  }
0xe: {  	[sflag:s3] =	ssyncset.done $0x0  }
0xf: {  	s8 =	simm.s32 $0x400;
	s7 =	sadd.s32 $0x427000, s7;
	[sflag:s3] =	ssyncadd.s32 $0xFFFFFE00  }
0x10: {  	[tilespmem:s8], [sflag:$0x4] =	stream.linear.gather [hbm4b:s7+s2], $0x200, $0x38;
	[tilespmem:$0x6600] =	vst v63  }
0x11: {  	_ =	swait.ge [sflag:s3], $0x200  }
0x12: {  	[sflag:s3] =	ssyncset.done $0x0  }
0x13: {  	s10 =	simm.s32 $0x600;
	s9 =	sadd.s32 $0x414000, s18;
	[sflag:s3] =	ssyncadd.s32 $0xFFFFFE00  }
0x14: {  	[tilespmem:s10], [sflag:$0x1] =	stream.indirect.gather [hbm4b:s9+s6], $0x10, s2, s6, $0xb8;
	[tilespmem:$0x6600] =	vst v63  }
0x15: {  	s12 =	simm.s32 $0x2600;
	s11 =	sadd.s32 $0x415A00, s18  }
0x16: {  	[tilespmem:s12], [sflag:$0x2] =	stream.indirect.gather [hbm4b:s11+s6], $0x10, s6, s6, $0xb8;
	[tilespmem:$0x6600] =	vst v63  }
0x17: {  	s14 =	simm.s32 $0x4600;
	s15 =	simm.s32 $0x1;
	s13 =	sadd.s32 $0x416600, s18  }
0x18: {  	[tilespmem:s14], [sflag:$0x3] =	stream.indirect.gather [hbm4b:s13+s6], $0x10, s8, s6, $0xb8;
	[tilespmem:$0x6600] =	vst v63  }
0x19: {  	_ =	swait.ge [sflag:s15], $0x2000  }
0x1a: {  	[sflag:s15] =	ssyncset.done $0x0  }
0x1b: {  	s16 =	simm.s32 $0x2;
	[sflag:s15] =	ssyncadd.s32 $0xFFFFE000  }
0x1c: {  	_ =	swait.ge [sflag:s16], $0x2000  }
0x1d: {  	[sflag:s16] =	ssyncset.done $0x0  }
0x1e: {  	s17 =	simm.s32 $0x3;
	[sflag:s16] =	ssyncadd.s32 $0xFFFFE000  }
0x1f: {  	s20 =	sshll.u32 s20, $0x1;
	_ =	swait.ge [sflag:s17], $0x2000  }
0x20: {  	s20 =	sadd.s32 s20, s18;
	[sflag:s17] =	ssyncset.done $0x0  }
0x21: {  	s21 =	ssub.s32 $0x2, s19;
	s18 =	sadd.s32 $0x427800, s20;
	[sflag:s17] =	ssyncadd.s32 $0xFFFFE000  }
0x22: {  	[hbm4b:s18+s2] =	stream.linear.scatter [tilespmem:s10], [sflag:$0x4], $0x2000, $0x38;
	[tilespmem:$0x6600] =	vst v63  }
0x23: {  	s22 =	sshrl.u32 s21, $0x1;
	_ =	swait.ge [sflag:s3], $0x2000  }
0x24: {  	s21 =	ssub.s32 s21, s22;
	[sflag:s3] =	ssyncset.done $0x0  }
0x25: {  	s21 =	smax.u32 s21, $0x1;
	s19 =	sadd.s32 $0x42F800, s20;
	[sflag:s3] =	ssyncadd.s32 $0xFFFFE000  }
0x26: {  	[hbm4b:s19+s2] =	stream.linear.scatter [tilespmem:s12], [sflag:$0x4], $0x2000, $0x38;
	[tilespmem:$0x6600] =	vst v63  }
0x27: {  	p0 =	sne.s32 s21, $0x1;
	_ =	swait.ge [sflag:s3], $0x2000  }
.Ltmp0:
0x28: {  	[sflag:s3] =	ssyncset.done $0x0;
	(pc) =	sbr.rel @!p0 .LBB2_2-.Ltmp0, $4  }
0x29: {  	s20 =	sadd.s32 $0x437800, s20;
	[sflag:s3] =	ssyncadd.s32 $0xFFFFE000  }
0x2a: {  	[hbm4b:s20+s2] =	stream.linear.scatter [tilespmem:s14], [sflag:$0x4], $0x2000, $0x38;
	[tilespmem:$0x6600] =	vst v63  }
0x2b: {  	_ =	swait.ge [sflag:s3], $0x2000  }
0x2c: {  	s21 =	sadd.s32 $0xFFFFFFFF, s21;
	[sflag:s3] =	ssyncset.done $0x0  }
.LBB2_1:
0x2d: {  	p0 =	sne.s32 s21, $0x1;
	s21 =	sadd.s32 $0xFFFFFFFF, s21;
	[sflag:s3] =	ssyncadd.s32 $0xFFFFE000  }
0x2e: {  	[tilespmem:s2], [sflag:$0x4] =	stream.linear.gather [hbm4b:s4+s2], $0x200, $0x38;
	[tilespmem:$0x6600] =	vst v63  }
0x2f: {  	_ =	swait.ge [sflag:s3], $0x200  }
0x30: {  	[sflag:s3] =	ssyncset.done $0x0  }
0x31: {  	[sflag:s3] =	ssyncadd.s32 $0xFFFFFE00  }
0x32: {  	[tilespmem:s6], [sflag:$0x4] =	stream.linear.gather [hbm4b:s5+s2], $0x200, $0x38;
	[tilespmem:$0x6600] =	vst v63  }
0x33: {  	_ =	swait.ge [sflag:s3], $0x200  }
0x34: {  	[sflag:s3] =	ssyncset.done $0x0  }
0x35: {  	[sflag:s3] =	ssyncadd.s32 $0xFFFFFE00  }
0x36: {  	[tilespmem:s8], [sflag:$0x4] =	stream.linear.gather [hbm4b:s7+s2], $0x200, $0x38;
	[tilespmem:$0x6600] =	vst v63  }
0x37: {  	_ =	swait.ge [sflag:s3], $0x200  }
0x38: {  	[sflag:s3] =	ssyncset.done $0x0  }
0x39: {  	[sflag:s3] =	ssyncadd.s32 $0xFFFFFE00  }
0x3a: {  	[tilespmem:s10], [sflag:$0x1] =	stream.indirect.gather [hbm4b:s9+s6], $0x10, s2, s6, $0xb8;
	[tilespmem:$0x6600] =	vst v63  }
0x3b: {  	_ = 	snop  }
0x3c: {  	[tilespmem:s12], [sflag:$0x2] =	stream.indirect.gather [hbm4b:s11+s6], $0x10, s6, s6, $0xb8;
	[tilespmem:$0x6600] =	vst v63  }
0x3d: {  	_ = 	snop  }
0x3e: {  	[tilespmem:s14], [sflag:$0x3] =	stream.indirect.gather [hbm4b:s13+s6], $0x10, s8, s6, $0xb8;
	[tilespmem:$0x6600] =	vst v63  }
0x3f: {  	_ =	swait.ge [sflag:s15], $0x2000  }
0x40: {  	[sflag:s15] =	ssyncset.done $0x0  }
0x41: {  	[sflag:s15] =	ssyncadd.s32 $0xFFFFE000  }
0x42: {  	_ =	swait.ge [sflag:s16], $0x2000  }
0x43: {  	[sflag:s16] =	ssyncset.done $0x0  }
0x44: {  	[sflag:s16] =	ssyncadd.s32 $0xFFFFE000  }
0x45: {  	_ =	swait.ge [sflag:s17], $0x2000  }
0x46: {  	[sflag:s17] =	ssyncset.done $0x0  }
0x47: {  	[sflag:s17] =	ssyncadd.s32 $0xFFFFE000  }
0x48: {  	[hbm4b:s18+s2] =	stream.linear.scatter [tilespmem:s10], [sflag:$0x4], $0x2000, $0x38;
	[tilespmem:$0x6600] =	vst v63  }
0x49: {  	_ =	swait.ge [sflag:s3], $0x2000  }
0x4a: {  	[sflag:s3] =	ssyncset.done $0x0  }
0x4b: {  	[sflag:s3] =	ssyncadd.s32 $0xFFFFE000  }
0x4c: {  	[hbm4b:s19+s2] =	stream.linear.scatter [tilespmem:s12], [sflag:$0x4], $0x2000, $0x38;
	[tilespmem:$0x6600] =	vst v63  }
0x4d: {  	_ =	swait.ge [sflag:s3], $0x2000  }
.Ltmp1:
0x4e: {  	[sflag:s3] =	ssyncset.done $0x0;
	(pc) =	sbr.rel @p0 .LBB2_1-.Ltmp1, $4  }
0x4f: {  	[sflag:s3] =	ssyncadd.s32 $0xFFFFE000  }
0x50: {  	[hbm4b:s20+s2] =	stream.linear.scatter [tilespmem:s14], [sflag:$0x4], $0x2000, $0x38;
	[tilespmem:$0x6600] =	vst v63  }
0x51: {  	_ =	swait.ge [sflag:s3], $0x2000  }
0x52: {  	[sflag:s3] =	ssyncset.done $0x0  }
.LBB2_2:
0x53: {  	[sflag:s3] =	ssyncadd.s32 $0xFFFFE000  }
0x54: {  	_ =	sfence.sel $0x180000  }
0x55: {  	[bflag:$0x0] =	sbarrier.arrive $0xFFFF  }
0x56: {  	p0 =	sne.s32 s0, $0x0;
	_ =	strace $0x9000004D  }
0x57: {  	s0 =	sadd.s32 @!p0 $0x100000, s1;
	[bflag:$0x2] =	sbarrier.arrive $0xFFFF  }
0x58: {  	[sflag:s0] =	ssyncadd.tile.s32 @!p0 $0x1;
	_ =	shalt  }
.Lfunc_end2:
_tile_overlayer_lowered:
.L_overlay_start_2:
0x59: {  	(tag) =	ssettag $0x2  }
0x5a: {  	s0 =	rddreg [dreg:$0x0];
	s2 =	stileid.u32  }
0x5b: {  	s1 =	rddreg [dreg:$0x1];
	p0 =	sne.s32 s2, $0x0  }
0x5c: {  	s3 =	rddreg [dreg:$0x2];
	[bflag:$0x3] =	sbarrier.arrive $0xFFFF;
	s2 =	simm.s32 @!p0 $0x1C04  }
0x5d: {  	[timem:s3], [sflag:s2] =	dma.local @!p0 [hbm:s0], s1  }
0x5e: {  	s0 =	simm.s32 @!p0 $0x4  }
0x5f: {  	_ =	swait.ge @!p0 [sflag:s0], s1  }
0x60: {  	s1 =	ssub.s32 @!p0 $0x0, s1;
	[sflag:s0] =	ssyncset.done @!p0 $0x0  }
0x61: {  	[sflag:s0] =	ssyncadd.s32 @!p0 s1  }
0x62: {  	[bflag:$0x3] =	sbarrier.arrive $0xFFFF  }
0x63: {  	_ =	shalt  }

</sc_bundles>
